<compile_context>
chip_gen: v7x
topology: tpu7x:2x2x1
jax: 0.10.2.dev20260603
libtpu: 0.0.44.dev20260713+nightly
codegen_flags: <defaults>
</compile_context>

<pallas_src>
import functools

import jax
import jax.numpy as jnp
from jax import lax
from jax.experimental import pallas as pl
from jax.experimental.pallas import tpu as pltpu
from jax.experimental.pallas import tpu_sc as plsc

NC, NS, L = 2, 16, 16
NW = NC * NS

N_NODE = 8000
TBL = 8064
RPS = TBL // NS
DF = 128
DW = 16
DO = 64

E = 120000
ECH = 128
NCH = 32
EPAD = NW * NCH * ECH
DUMMY = 8000

NLBL = 200000
LCH = 128
NLCH = 56
LPAD = NW * NLCH * LCH

ROWBLK = 1000


def _agg_body(table, srcr, dstr, z128,
              agg_out,
              sidx, didx, buf0, stable):
  c = lax.axis_index("c")
  s = lax.axis_index("s")
  wid = c * NS + s

  @pl.when(s == 0)
  def _init():
    pltpu.sync_copy(z128, stable)

  pltpu.sync_copy(srcr.at[wid], sidx)
  pltpu.sync_copy(dstr.at[wid], didx)
  plsc.subcore_barrier()

  @pl.loop(0, NCH)
  def _chunk(ch):
    pltpu.sync_copy(table.at[sidx.at[ch]], buf0)
    pltpu.sync_copy(buf0, stable.at[didx.at[ch]], add=True)

  plsc.subcore_barrier()
  @pl.when(s == 0)
  def _out():
    pltpu.sync_copy(stable, agg_out.at[c])


def _sc_agg(table, srcr, dstr, z128):
  mesh = plsc.VectorSubcoreMesh(core_axis_name="c", subcore_axis_name="s",
                                num_cores=NC, num_subcores=NS)
  return pl.kernel(
      _agg_body,
      out_type=jax.ShapeDtypeStruct((NC, TBL, DF), jnp.float32),
      mesh=mesh,
      scratch_types=[
          pltpu.VMEM((NCH, ECH), jnp.int32),
          pltpu.VMEM((NCH, ECH), jnp.int32),
          pltpu.VMEM((ECH, DF), jnp.float32),
          pltpu.VMEM_SHARED((TBL, DF), jnp.float32),
      ],
      name="sc_segment_sum",
  )(table, srcr, dstr, z128)


def _deg_body(dstr, z128, ones_h,
              deg_out,
              didx, ones_v, dtable):
  c = lax.axis_index("c")
  s = lax.axis_index("s")
  wid = c * NS + s

  @pl.when(s == 0)
  def _init():
    pltpu.sync_copy(z128, dtable)

  pltpu.sync_copy(dstr.at[wid], didx)
  pltpu.sync_copy(ones_h, ones_v)
  plsc.subcore_barrier()

  @pl.loop(0, NCH)
  def _chunk(ch):
    pltpu.sync_copy(ones_v, dtable.at[didx.at[ch]], add=True)

  plsc.subcore_barrier()
  @pl.when(s == 0)
  def _out():
    pltpu.sync_copy(dtable, deg_out.at[c])


def _sc_deg(dstr, z128, ones_h):
  mesh = plsc.VectorSubcoreMesh(core_axis_name="c", subcore_axis_name="s",
                                num_cores=NC, num_subcores=NS)
  return pl.kernel(
      _deg_body,
      out_type=jax.ShapeDtypeStruct((NC, TBL, DF), jnp.float32),
      mesh=mesh,
      scratch_types=[
          pltpu.VMEM((NCH, ECH), jnp.int32),
          pltpu.VMEM((ECH, DF), jnp.float32),
          pltpu.VMEM_SHARED((TBL, DF), jnp.float32),
      ],
      name="sc_degrees",
  )(dstr, z128, ones_h)


def _gather_body(tab, ar, br, outa, outb,
                 aidx, bidx, bufa0, bufb0):
  c = lax.axis_index("c")
  s = lax.axis_index("s")
  wid = c * NS + s

  pltpu.sync_copy(ar.at[wid], aidx)
  pltpu.sync_copy(br.at[wid], bidx)

  @pl.loop(0, NLCH)
  def _chunk(ch):
    pltpu.sync_copy(tab.at[aidx.at[ch]], bufa0)
    pltpu.sync_copy(tab.at[bidx.at[ch]], bufb0)
    pltpu.sync_copy(bufa0, outa.at[wid * NLCH + ch])
    pltpu.sync_copy(bufb0, outb.at[wid * NLCH + ch])


def _sc_gather_pairs(tab, ar, br):
  mesh = plsc.VectorSubcoreMesh(core_axis_name="c", subcore_axis_name="s",
                                num_cores=NC, num_subcores=NS)
  return pl.kernel(
      _gather_body,
      out_type=[
          jax.ShapeDtypeStruct((NW * NLCH, LCH, 2 * DO), jnp.float32),
          jax.ShapeDtypeStruct((NW * NLCH, LCH, 2 * DO), jnp.float32),
      ],
      mesh=mesh,
      scratch_types=[
          pltpu.VMEM((NLCH, LCH), jnp.int32),
          pltpu.VMEM((NLCH, LCH), jnp.int32),
          pltpu.VMEM((LCH, 2 * DO), jnp.float32),
          pltpu.VMEM((LCH, 2 * DO), jnp.float32),
      ],
      name="sc_gather_pairs",
  )(tab, ar, br)


DBLK = 64


def _tcdec_body(a, b, o):
  o[...] = jnp.sum(a[..., :DO] * b[..., DO:], axis=-1)


def _tc_decode(ga, gb):
  nblk = (NW * NLCH) // DBLK
  return pl.pallas_call(
      _tcdec_body,
      grid=(nblk,),
      in_specs=[
          pl.BlockSpec((DBLK, LCH, 2 * DO), lambda i: (i, 0, 0)),
          pl.BlockSpec((DBLK, LCH, 2 * DO), lambda i: (i, 0, 0)),
      ],
      out_specs=pl.BlockSpec((DBLK, LCH), lambda i: (i, 0)),
      out_shape=jax.ShapeDtypeStruct((NW * NLCH, LCH), jnp.float32),
      name="tc_distmult_decode",
  )(ga, gb)


def _tc1_body(xc, xd, aggp, degp, wsc, wsd, wr, h0c, h0d):
  hc = jnp.dot(xc[...], wsc[...], preferred_element_type=jnp.float32)
  h0c[...] = jnp.maximum(hc, 0.0)
  agg = aggp[0] + aggp[1]
  deg = degp[0, :, 0] + degp[1, :, 0]
  m = agg * (1.0 / jnp.maximum(deg, 1.0))[:, None]
  hd = (jnp.dot(xd[...], wsd[...], preferred_element_type=jnp.float32)
        + jnp.dot(m, wr[...], preferred_element_type=jnp.float32))
  h0d[...] = jnp.maximum(hd, 0.0)


def _tc_layer0(xc, xd, aggp, degp, wsc, wsd, wr):
  nblk = N_NODE // ROWBLK
  return pl.pallas_call(
      _tc1_body,
      grid=(nblk,),
      in_specs=[
          pl.BlockSpec((ROWBLK, DF), lambda i: (i, 0)),
          pl.BlockSpec((ROWBLK, DF), lambda i: (i, 0)),
          pl.BlockSpec((NC, ROWBLK, DF), lambda i: (0, i, 0)),
          pl.BlockSpec((NC, ROWBLK, DF), lambda i: (0, i, 0)),
          pl.BlockSpec((DF, DF), lambda i: (0, 0)),
          pl.BlockSpec((DF, DF), lambda i: (0, 0)),
          pl.BlockSpec((DF, DF), lambda i: (0, 0)),
      ],
      out_specs=[
          pl.BlockSpec((ROWBLK, DF), lambda i: (i, 0)),
          pl.BlockSpec((ROWBLK, DF), lambda i: (i, 0)),
      ],
      out_shape=[
          jax.ShapeDtypeStruct((N_NODE, DF), jnp.float32),
          jax.ShapeDtypeStruct((N_NODE, DF), jnp.float32),
      ],
      name="tc_rgcn_layer0",
  )(xc, xd, aggp, degp, wsc, wsd, wr)


def _tc2_body(hc, hd, aggp, degp, wsc, wsd, wr, rv, tab):
  gc = jnp.dot(hc[...], wsc[...], preferred_element_type=jnp.float32) * rv[...]
  agg = aggp[0] + aggp[1]
  deg = degp[0, :, 0] + degp[1, :, 0]
  m = agg * (1.0 / jnp.maximum(deg, 1.0))[:, None]
  h1d = (jnp.dot(hd[...], wsd[...], preferred_element_type=jnp.float32)
         + jnp.dot(m, wr[...], preferred_element_type=jnp.float32))
  tab[...] = jnp.concatenate([gc, h1d], axis=1)


def _tc_layer1(hc, hd, aggp, degp, wsc, wsd, wr, rv):
  nblk = N_NODE // ROWBLK
  return pl.pallas_call(
      _tc2_body,
      grid=(nblk,),
      in_specs=[
          pl.BlockSpec((ROWBLK, DF), lambda i: (i, 0)),
          pl.BlockSpec((ROWBLK, DF), lambda i: (i, 0)),
          pl.BlockSpec((NC, ROWBLK, DF), lambda i: (0, i, 0)),
          pl.BlockSpec((NC, ROWBLK, DF), lambda i: (0, i, 0)),
          pl.BlockSpec((DF, DO), lambda i: (0, 0)),
          pl.BlockSpec((DF, DO), lambda i: (0, 0)),
          pl.BlockSpec((DF, DO), lambda i: (0, 0)),
          pl.BlockSpec((1, DO), lambda i: (0, 0)),
      ],
      out_specs=pl.BlockSpec((ROWBLK, 2 * DO), lambda i: (i, 0)),
      out_shape=jax.ShapeDtypeStruct((N_NODE, 2 * DO), jnp.float32),
      name="tc_rgcn_layer1",
  )(hc, hd, aggp, degp, wsc, wsd, wr, rv)


def kernel(x_Compound, x_Disease, x_Gene, x_Anatomy,
           edge_index_0, edge_index_1, edge_index_2, edge_index_3,
           W_self_0_Compound, W_self_0_Disease, W_self_0_Gene, W_self_0_Anatomy,
           W_rel_0_0, W_rel_0_1, W_rel_0_2, W_rel_0_3,
           W_self_1_Compound, W_self_1_Disease, W_self_1_Gene, W_self_1_Anatomy,
           W_rel_1_0, W_rel_1_1, W_rel_1_2, W_rel_1_3,
           rel_vec, edge_label_index):
  src = jnp.concatenate(
      [edge_index_0[0].astype(jnp.int32), jnp.zeros((EPAD - E,), jnp.int32)])
  dst = jnp.concatenate(
      [edge_index_0[1].astype(jnp.int32),
       jnp.full((EPAD - E,), DUMMY, jnp.int32)])
  srcr = src.reshape(NW, NCH, ECH)
  dstr = dst.reshape(NW, NCH, ECH)

  z128 = jnp.zeros((TBL, DF), jnp.float32)
  ones_h = jnp.ones((ECH, DF), jnp.float32)

  degp = _sc_deg(dstr, z128, ones_h)
  aggx = _sc_agg(x_Compound, srcr, dstr, z128)
  h0c, h0d = _tc_layer0(x_Compound, x_Disease, aggx, degp,
                        W_self_0_Compound, W_self_0_Disease, W_rel_0_0)
  aggh = _sc_agg(h0c, srcr, dstr, z128)
  tab = _tc_layer1(h0c, h0d, aggh, degp,
                   W_self_1_Compound, W_self_1_Disease, W_rel_1_0,
                   rel_vec.reshape(1, DO))

  a = jnp.concatenate(
      [edge_label_index[0].astype(jnp.int32),
       jnp.zeros((LPAD - NLBL,), jnp.int32)])
  b = jnp.concatenate(
      [edge_label_index[1].astype(jnp.int32),
       jnp.zeros((LPAD - NLBL,), jnp.int32)])
  ar = a.reshape(NW, NLCH, LCH)
  br = b.reshape(NW, NLCH, LCH)
  ga, gb = _sc_gather_pairs(tab, ar, br)
  scores = _tc_decode(ga, gb)
  return scores.reshape(LPAD)[:NLBL]

# --- scband reference (transcript-rebuilt; emitter-appended) ---
"""Pipeline reference for scband-drug-repurposing-model-62508954026236 (READ-ONLY COPY).

The authoritative reference and input builder live on the scoring server;
editing this copy changes nothing except your own understanding.
"""

import jax, jax.numpy as jnp
import numpy as np

NT = ["Compound", "Disease", "Gene", "Anatomy"]
COUNTS = {"Compound": 8000, "Disease": 8000, "Gene": 20000, "Anatomy": 4000}
ETS = [("Compound", "treats", "Disease"), ("Compound", "targets", "Gene"), ("Gene", "interacts", "Gene"), ("Gene", "expressed_in", "Anatomy")]
D_FEAT = 128
HID = 128
OUT = 64
N_EDGES = 120000
N_LABEL = 200000
EMAX = [8000, 8000, 20000, 4000]


def setup_inputs(seed: int = 0):
    key = jax.random.key(seed)
    inp = {}
    k = [0]
    def nk():
        k[0] += 1
        return jax.random.fold_in(key, k[0])
    for nt in NT:
        inp["x_" + nt] = jax.random.normal(nk(), (COUNTS[nt], D_FEAT), jnp.float32)
    for i in range(4):
        inp["edge_index_%d" % i] = jax.random.randint(nk(), (2, N_EDGES), 0, EMAX[i])
    dims = [(D_FEAT, HID), (HID, OUT)]
    for li in range(2):
        din, dout = dims[li]
        for nt in NT:
            inp["W_self_%d_%s" % (li, nt)] = jax.random.normal(nk(), (din, dout), jnp.float32) * 0.05
        for i in range(4):
            inp["W_rel_%d_%d" % (li, i)] = jax.random.normal(nk(), (din, dout), jnp.float32) * 0.05
    inp["rel_vec"] = jax.random.normal(nk(), (OUT,), jnp.float32)
    inp["edge_label_index"] = jax.random.randint(nk(), (2, N_LABEL), 0, 8000)
    return inp


def _forward(fd, idx):
    # Heterogeneous R-GCN encoder: per-relation transform + mean aggregation + self-loop transform.
    def layer(xd, li):
        out = {nt: xd[nt] @ fd["W_self_%d_%s" % (li, nt)] for nt in NT}
        for i, (s, r, d) in enumerate(ETS):
            ei = idx["edge_index_%d" % i]
            msg = xd[s][ei[0]] @ fd["W_rel_%d_%d" % (li, i)]
            agg = jax.ops.segment_sum(msg, ei[1], num_segments=COUNTS[d])
            deg = jax.ops.segment_sum(jnp.ones((ei.shape[1],), jnp.float32), ei[1], num_segments=COUNTS[d])
            out[d] = out[d] + agg / jnp.clip(deg, 1.0)[:, None]
        return out
    xd = {nt: fd["x_" + nt] for nt in NT}
    h = {nt: jax.nn.relu(v) for nt, v in layer(xd, 0).items()}
    h = layer(h, 1)
    # DistMult decoder on labelled (Compound, Disease) pairs
    eli = idx["edge_label_index"]
    h_src = h["Compound"][eli[0]]
    h_dst = h["Disease"][eli[1]]
    return jnp.sum(h_src * fd["rel_vec"] * h_dst, axis=-1)


def reference(x_Compound, x_Disease, x_Gene, x_Anatomy,
              edge_index_0, edge_index_1, edge_index_2, edge_index_3,
              W_self_0_Compound, W_self_0_Disease, W_self_0_Gene, W_self_0_Anatomy,
              W_rel_0_0, W_rel_0_1, W_rel_0_2, W_rel_0_3,
              W_self_1_Compound, W_self_1_Disease, W_self_1_Gene, W_self_1_Anatomy,
              W_rel_1_0, W_rel_1_1, W_rel_1_2, W_rel_1_3,
              rel_vec, edge_label_index):
    kw = dict(locals())
    idx = {n: kw[n] for n in kw if "index" in n}
    fd = {n: kw[n] for n in kw if "index" not in n}
    return _forward(fd, idx)

if __name__ == "__main__":
    import jax
    _d = setup_inputs()
    print(jax.jit(kernel)(*tuple(_d.values())))

</pallas_src>

<mosaic_0001>
#map = affine_map<(d0, d1) -> (0, 0)>
#map1 = affine_map<(d0, d1) -> (0, 0, 0)>
module attributes {stable_mosaic.version = 14 : i64} {
  func.func @sc_gather_pairs(%arg0: i32, %arg1: i32, %arg2: memref<8000x128xf32, #tpu.memory_space<hbm>>, %arg3: memref<32x56x128xi32, #tpu.memory_space<hbm>>, %arg4: memref<32x56x128xi32, #tpu.memory_space<hbm>>, %arg5: memref<1792x128x128xf32, #tpu.memory_space<hbm>>, %arg6: memref<1792x128x128xf32, #tpu.memory_space<hbm>>, %arg7: memref<56x128xi32, #tpu.memory_space<vmem>>, %arg8: memref<56x128xi32, #tpu.memory_space<vmem>>, %arg9: memref<128x128xf32, #tpu.memory_space<vmem>>, %arg10: memref<128x128xf32, #tpu.memory_space<vmem>>) attributes {dimension_semantics = [#tpu.dimension_semantics<core_parallel>, #tpu.dimension_semantics<subcore_parallel>], iteration_bounds = array<i64: 2, 16>, scalar_prefetch = 0 : i64, scratch_operands = 4 : i64, tpu.core_type = #tpu.core_type<sc_vector_subcore>, window_params = [{transform_indices = #map}, {transform_indices = #map1}, {transform_indices = #map1}, {transform_indices = #map1}, {transform_indices = #map1}]} {
    %mul3A = arith.constant 16 : i32
    %mul3A_0 = arith.muli %arg0, %mul3A : i32
    %add3A = arith.addi %mul3A_0, %arg1 : i32
    "tpu.region"() ({
      %run_scoped3A = tpu.sem_alloc : memref<!tpu.dma_semaphore, #tpu.memory_space<semaphore_mem>>
      %dma_start3A = arith.constant 0 : i32
      %dma_start3A_5 = arith.constant 0 : i32
      %dma_start3A_6 = tpu.memref_slice %arg3[%add3A, %dma_start3A, %dma_start3A_5] : memref<32x56x128xi32, #tpu.memory_space<hbm>> -> memref<1x56x128xi32, #tpu.memory_space<hbm>>
      %dma_start3A_7 = tpu.memref_squeeze %dma_start3A_6 : memref<1x56x128xi32, #tpu.memory_space<hbm>> -> memref<56x128xi32, #tpu.memory_space<hbm>>
      %dma_start3A_8 = arith.constant 0 : i32
      %dma_start3A_9 = arith.constant 0 : i32
      %dma_start3A_10 = tpu.memref_slice %arg3[%add3A, %dma_start3A_8, %dma_start3A_9] : memref<32x56x128xi32, #tpu.memory_space<hbm>> -> memref<1x56x128xi32, #tpu.memory_space<hbm>>
      %dma_start3A_11 = tpu.memref_squeeze %dma_start3A_10 : memref<1x56x128xi32, #tpu.memory_space<hbm>> -> memref<56x128xi32, #tpu.memory_space<hbm>>
      tpu.enqueue_dma source(%dma_start3A_11 : memref<56x128xi32, #tpu.memory_space<hbm>>) target(%arg7 : memref<56x128xi32, #tpu.memory_space<vmem>>) target_semaphore(%run_scoped3A : memref<!tpu.dma_semaphore, #tpu.memory_space<semaphore_mem>>)
      %dma_wait3A = arith.constant 0 : i32
      %dma_wait3A_12 = arith.constant 0 : i32
      %dma_wait3A_13 = tpu.memref_slice %arg3[%add3A, %dma_wait3A, %dma_wait3A_12] : memref<32x56x128xi32, #tpu.memory_space<hbm>> -> memref<1x56x128xi32, #tpu.memory_space<hbm>>
      %dma_wait3A_14 = tpu.memref_squeeze %dma_wait3A_13 : memref<1x56x128xi32, #tpu.memory_space<hbm>> -> memref<56x128xi32, #tpu.memory_space<hbm>>
      %dma_wait3A_15 = arith.constant 0 : i32
      %dma_wait3A_16 = arith.constant 0 : i32
      %dma_wait3A_17 = tpu.memref_slice %arg3[%add3A, %dma_wait3A_15, %dma_wait3A_16] : memref<32x56x128xi32, #tpu.memory_space<hbm>> -> memref<1x56x128xi32, #tpu.memory_space<hbm>>
      %dma_wait3A_18 = tpu.memref_squeeze %dma_wait3A_17 : memref<1x56x128xi32, #tpu.memory_space<hbm>> -> memref<56x128xi32, #tpu.memory_space<hbm>>
      tpu.wait_dma2 semaphore(%run_scoped3A : memref<!tpu.dma_semaphore, #tpu.memory_space<semaphore_mem>>) src(%dma_wait3A_18 : memref<56x128xi32, #tpu.memory_space<hbm>>) dst(%arg7 : memref<56x128xi32, #tpu.memory_space<vmem>>)
      tpu.yield
    }) : () -> ()
    "tpu.region"() ({
      %run_scoped3A = tpu.sem_alloc : memref<!tpu.dma_semaphore, #tpu.memory_space<semaphore_mem>>
      %dma_start3A = arith.constant 0 : i32
      %dma_start3A_5 = arith.constant 0 : i32
      %dma_start3A_6 = tpu.memref_slice %arg4[%add3A, %dma_start3A, %dma_start3A_5] : memref<32x56x128xi32, #tpu.memory_space<hbm>> -> memref<1x56x128xi32, #tpu.memory_space<hbm>>
      %dma_start3A_7 = tpu.memref_squeeze %dma_start3A_6 : memref<1x56x128xi32, #tpu.memory_space<hbm>> -> memref<56x128xi32, #tpu.memory_space<hbm>>
      %dma_start3A_8 = arith.constant 0 : i32
      %dma_start3A_9 = arith.constant 0 : i32
      %dma_start3A_10 = tpu.memref_slice %arg4[%add3A, %dma_start3A_8, %dma_start3A_9] : memref<32x56x128xi32, #tpu.memory_space<hbm>> -> memref<1x56x128xi32, #tpu.memory_space<hbm>>
      %dma_start3A_11 = tpu.memref_squeeze %dma_start3A_10 : memref<1x56x128xi32, #tpu.memory_space<hbm>> -> memref<56x128xi32, #tpu.memory_space<hbm>>
      tpu.enqueue_dma source(%dma_start3A_11 : memref<56x128xi32, #tpu.memory_space<hbm>>) target(%arg8 : memref<56x128xi32, #tpu.memory_space<vmem>>) target_semaphore(%run_scoped3A : memref<!tpu.dma_semaphore, #tpu.memory_space<semaphore_mem>>)
      %dma_wait3A = arith.constant 0 : i32
      %dma_wait3A_12 = arith.constant 0 : i32
      %dma_wait3A_13 = tpu.memref_slice %arg4[%add3A, %dma_wait3A, %dma_wait3A_12] : memref<32x56x128xi32, #tpu.memory_space<hbm>> -> memref<1x56x128xi32, #tpu.memory_space<hbm>>
      %dma_wait3A_14 = tpu.memref_squeeze %dma_wait3A_13 : memref<1x56x128xi32, #tpu.memory_space<hbm>> -> memref<56x128xi32, #tpu.memory_space<hbm>>
      %dma_wait3A_15 = arith.constant 0 : i32
      %dma_wait3A_16 = arith.constant 0 : i32
      %dma_wait3A_17 = tpu.memref_slice %arg4[%add3A, %dma_wait3A_15, %dma_wait3A_16] : memref<32x56x128xi32, #tpu.memory_space<hbm>> -> memref<1x56x128xi32, #tpu.memory_space<hbm>>
      %dma_wait3A_18 = tpu.memref_squeeze %dma_wait3A_17 : memref<1x56x128xi32, #tpu.memory_space<hbm>> -> memref<56x128xi32, #tpu.memory_space<hbm>>
      tpu.wait_dma2 semaphore(%run_scoped3A : memref<!tpu.dma_semaphore, #tpu.memory_space<semaphore_mem>>) src(%dma_wait3A_18 : memref<56x128xi32, #tpu.memory_space<hbm>>) dst(%arg8 : memref<56x128xi32, #tpu.memory_space<vmem>>)
      tpu.yield
    }) : () -> ()
    %scan3A = arith.constant 0 : i32
    %scan3A_1 = arith.constant 56 : i32
    %scan3A_2 = arith.addi %scan3A, %scan3A_1 : i32
    %scan3A_3 = arith.constant 1 : i32
    scf.for %scan3A_5 = %scan3A to %scan3A_2 step %scan3A_3  : i32 {
      %mul3A_6 = arith.constant 1 : i32
      %mul3A_7 = arith.muli %scan3A_5, %mul3A_6 : i32
      %add3A_8 = arith.constant 0 : i32
      %add3A_9 = arith.addi %add3A_8, %mul3A_7 : i32
      "tpu.region"() ({
        %run_scoped3A = tpu.sem_alloc : memref<!tpu.dma_semaphore, #tpu.memory_space<semaphore_mem>>
        %dma_start3A = arith.constant 0 : i32
        %dma_start3A_16 = tpu.memref_slice %arg7[%add3A_9, %dma_start3A] : memref<56x128xi32, #tpu.memory_space<vmem>> -> memref<1x128xi32, #tpu.memory_space<vmem>>
        %dma_start3A_17 = tpu.memref_squeeze %dma_start3A_16 : memref<1x128xi32, #tpu.memory_space<vmem>> -> memref<128xi32, #tpu.memory_space<vmem>>
        %dma_start3A_18 = arith.constant 0 : i32
        %dma_start3A_19 = arith.constant 0 : i32
        %dma_start3A_20 = tpu.memref_slice %arg2[%dma_start3A_18, %dma_start3A_19] : memref<8000x128xf32, #tpu.memory_space<hbm>> -> memref<8000x128xf32, #tpu.memory_space<hbm>>
        tpu.enqueue_indirect_dma source(%dma_start3A_20 : memref<8000x128xf32, #tpu.memory_space<hbm>>) target(%arg9 : memref<128x128xf32, #tpu.memory_space<vmem>>) offsets(%dma_start3A_17 : memref<128xi32, #tpu.memory_space<vmem>>) semaphore(%run_scoped3A : memref<!tpu.dma_semaphore, #tpu.memory_space<semaphore_mem>>)
        %dma_wait3A = arith.constant 0 : i32
        %dma_wait3A_21 = tpu.memref_slice %arg7[%add3A_9, %dma_wait3A] : memref<56x128xi32, #tpu.memory_space<vmem>> -> memref<1x128xi32, #tpu.memory_space<vmem>>
        %dma_wait3A_22 = tpu.memref_squeeze %dma_wait3A_21 : memref<1x128xi32, #tpu.memory_space<vmem>> -> memref<128xi32, #tpu.memory_space<vmem>>
        %dma_wait3A_23 = arith.constant 0 : i32
        %dma_wait3A_24 = arith.constant 0 : i32
        %dma_wait3A_25 = tpu.memref_slice %arg2[%dma_wait3A_23, %dma_wait3A_24] : memref<8000x128xf32, #tpu.memory_space<hbm>> -> memref<8000x128xf32, #tpu.memory_space<hbm>>
        tpu.wait_indirect_dma semaphore(%run_scoped3A : memref<!tpu.dma_semaphore, #tpu.memory_space<semaphore_mem>>) src(%dma_wait3A_25 : memref<8000x128xf32, #tpu.memory_space<hbm>>) dst(%arg9 : memref<128x128xf32, #tpu.memory_space<vmem>>)
        tpu.yield
      }) : () -> ()
      "tpu.region"() ({
        %run_scoped3A = tpu.sem_alloc : memref<!tpu.dma_semaphore, #tpu.memory_space<semaphore_mem>>
        %dma_start3A = arith.constant 0 : i32
        %dma_start3A_16 = tpu.memref_slice %arg8[%add3A_9, %dma_start3A] : memref<56x128xi32, #tpu.memory_space<vmem>> -> memref<1x128xi32, #tpu.memory_space<vmem>>
        %dma_start3A_17 = tpu.memref_squeeze %dma_start3A_16 : memref<1x128xi32, #tpu.memory_space<vmem>> -> memref<128xi32, #tpu.memory_space<vmem>>
        %dma_start3A_18 = arith.constant 0 : i32
        %dma_start3A_19 = arith.constant 0 : i32
        %dma_start3A_20 = tpu.memref_slice %arg2[%dma_start3A_18, %dma_start3A_19] : memref<8000x128xf32, #tpu.memory_space<hbm>> -> memref<8000x128xf32, #tpu.memory_space<hbm>>
        tpu.enqueue_indirect_dma source(%dma_start3A_20 : memref<8000x128xf32, #tpu.memory_space<hbm>>) target(%arg10 : memref<128x128xf32, #tpu.memory_space<vmem>>) offsets(%dma_start3A_17 : memref<128xi32, #tpu.memory_space<vmem>>) semaphore(%run_scoped3A : memref<!tpu.dma_semaphore, #tpu.memory_space<semaphore_mem>>)
        %dma_wait3A = arith.constant 0 : i32
        %dma_wait3A_21 = tpu.memref_slice %arg8[%add3A_9, %dma_wait3A] : memref<56x128xi32, #tpu.memory_space<vmem>> -> memref<1x128xi32, #tpu.memory_space<vmem>>
        %dma_wait3A_22 = tpu.memref_squeeze %dma_wait3A_21 : memref<1x128xi32, #tpu.memory_space<vmem>> -> memref<128xi32, #tpu.memory_space<vmem>>
        %dma_wait3A_23 = arith.constant 0 : i32
        %dma_wait3A_24 = arith.constant 0 : i32
        %dma_wait3A_25 = tpu.memref_slice %arg2[%dma_wait3A_23, %dma_wait3A_24] : memref<8000x128xf32, #tpu.memory_space<hbm>> -> memref<8000x128xf32, #tpu.memory_space<hbm>>
        tpu.wait_indirect_dma semaphore(%run_scoped3A : memref<!tpu.dma_semaphore, #tpu.memory_space<semaphore_mem>>) src(%dma_wait3A_25 : memref<8000x128xf32, #tpu.memory_space<hbm>>) dst(%arg10 : memref<128x128xf32, #tpu.memory_space<vmem>>)
        tpu.yield
      }) : () -> ()
      %mul3A_10 = arith.constant 56 : i32
      %mul3A_11 = arith.muli %add3A, %mul3A_10 : i32
      %add3A_12 = arith.addi %mul3A_11, %add3A_9 : i32
      "tpu.region"() ({
        %run_scoped3A = tpu.sem_alloc : memref<!tpu.dma_semaphore, #tpu.memory_space<semaphore_mem>>
        %dma_start3A = arith.constant 0 : i32
        %dma_start3A_16 = arith.constant 0 : i32
        %dma_start3A_17 = tpu.memref_slice %arg5[%add3A_12, %dma_start3A, %dma_start3A_16] : memref<1792x128x128xf32, #tpu.memory_space<hbm>> -> memref<1x128x128xf32, #tpu.memory_space<hbm>>
        %dma_start3A_18 = tpu.memref_squeeze %dma_start3A_17 : memref<1x128x128xf32, #tpu.memory_space<hbm>> -> memref<128x128xf32, #tpu.memory_space<hbm>>
        %dma_start3A_19 = arith.constant 0 : i32
        %dma_start3A_20 = arith.constant 0 : i32
        %dma_start3A_21 = tpu.memref_slice %arg5[%add3A_12, %dma_start3A_19, %dma_start3A_20] : memref<1792x128x128xf32, #tpu.memory_space<hbm>> -> memref<1x128x128xf32, #tpu.memory_space<hbm>>
        %dma_start3A_22 = tpu.memref_squeeze %dma_start3A_21 : memref<1x128x128xf32, #tpu.memory_space<hbm>> -> memref<128x128xf32, #tpu.memory_space<hbm>>
        tpu.enqueue_dma source(%arg9 : memref<128x128xf32, #tpu.memory_space<vmem>>) target(%dma_start3A_22 : memref<128x128xf32, #tpu.memory_space<hbm>>) target_semaphore(%run_scoped3A : memref<!tpu.dma_semaphore, #tpu.memory_space<semaphore_mem>>)
        %dma_wait3A = arith.constant 0 : i32
        %dma_wait3A_23 = arith.constant 0 : i32
        %dma_wait3A_24 = tpu.memref_slice %arg5[%add3A_12, %dma_wait3A, %dma_wait3A_23] : memref<1792x128x128xf32, #tpu.memory_space<hbm>> -> memref<1x128x128xf32, #tpu.memory_space<hbm>>
        %dma_wait3A_25 = tpu.memref_squeeze %dma_wait3A_24 : memref<1x128x128xf32, #tpu.memory_space<hbm>> -> memref<128x128xf32, #tpu.memory_space<hbm>>
        %dma_wait3A_26 = arith.constant 0 : i32
        %dma_wait3A_27 = arith.constant 0 : i32
        %dma_wait3A_28 = tpu.memref_slice %arg5[%add3A_12, %dma_wait3A_26, %dma_wait3A_27] : memref<1792x128x128xf32, #tpu.memory_space<hbm>> -> memref<1x128x128xf32, #tpu.memory_space<hbm>>
        %dma_wait3A_29 = tpu.memref_squeeze %dma_wait3A_28 : memref<1x128x128xf32, #tpu.memory_space<hbm>> -> memref<128x128xf32, #tpu.memory_space<hbm>>
        tpu.wait_dma2 semaphore(%run_scoped3A : memref<!tpu.dma_semaphore, #tpu.memory_space<semaphore_mem>>) src(%arg9 : memref<128x128xf32, #tpu.memory_space<vmem>>) dst(%dma_wait3A_29 : memref<128x128xf32, #tpu.memory_space<hbm>>)
        tpu.yield
      }) : () -> ()
      %mul3A_13 = arith.constant 56 : i32
      %mul3A_14 = arith.muli %add3A, %mul3A_13 : i32
      %add3A_15 = arith.addi %mul3A_14, %add3A_9 : i32
      "tpu.region"() ({
        %run_scoped3A = tpu.sem_alloc : memref<!tpu.dma_semaphore, #tpu.memory_space<semaphore_mem>>
        %dma_start3A = arith.constant 0 : i32
        %dma_start3A_16 = arith.constant 0 : i32
        %dma_start3A_17 = tpu.memref_slice %arg6[%add3A_15, %dma_start3A, %dma_start3A_16] : memref<1792x128x128xf32, #tpu.memory_space<hbm>> -> memref<1x128x128xf32, #tpu.memory_space<hbm>>
        %dma_start3A_18 = tpu.memref_squeeze %dma_start3A_17 : memref<1x128x128xf32, #tpu.memory_space<hbm>> -> memref<128x128xf32, #tpu.memory_space<hbm>>
        %dma_start3A_19 = arith.constant 0 : i32
        %dma_start3A_20 = arith.constant 0 : i32
        %dma_start3A_21 = tpu.memref_slice %arg6[%add3A_15, %dma_start3A_19, %dma_start3A_20] : memref<1792x128x128xf32, #tpu.memory_space<hbm>> -> memref<1x128x128xf32, #tpu.memory_space<hbm>>
        %dma_start3A_22 = tpu.memref_squeeze %dma_start3A_21 : memref<1x128x128xf32, #tpu.memory_space<hbm>> -> memref<128x128xf32, #tpu.memory_space<hbm>>
        tpu.enqueue_dma source(%arg10 : memref<128x128xf32, #tpu.memory_space<vmem>>) target(%dma_start3A_22 : memref<128x128xf32, #tpu.memory_space<hbm>>) target_semaphore(%run_scoped3A : memref<!tpu.dma_semaphore, #tpu.memory_space<semaphore_mem>>)
        %dma_wait3A = arith.constant 0 : i32
        %dma_wait3A_23 = arith.constant 0 : i32
        %dma_wait3A_24 = tpu.memref_slice %arg6[%add3A_15, %dma_wait3A, %dma_wait3A_23] : memref<1792x128x128xf32, #tpu.memory_space<hbm>> -> memref<1x128x128xf32, #tpu.memory_space<hbm>>
        %dma_wait3A_25 = tpu.memref_squeeze %dma_wait3A_24 : memref<1x128x128xf32, #tpu.memory_space<hbm>> -> memref<128x128xf32, #tpu.memory_space<hbm>>
        %dma_wait3A_26 = arith.constant 0 : i32
        %dma_wait3A_27 = arith.constant 0 : i32
        %dma_wait3A_28 = tpu.memref_slice %arg6[%add3A_15, %dma_wait3A_26, %dma_wait3A_27] : memref<1792x128x128xf32, #tpu.memory_space<hbm>> -> memref<1x128x128xf32, #tpu.memory_space<hbm>>
        %dma_wait3A_29 = tpu.memref_squeeze %dma_wait3A_28 : memref<1x128x128xf32, #tpu.memory_space<hbm>> -> memref<128x128xf32, #tpu.memory_space<hbm>>
        tpu.wait_dma2 semaphore(%run_scoped3A : memref<!tpu.dma_semaphore, #tpu.memory_space<semaphore_mem>>) src(%arg10 : memref<128x128xf32, #tpu.memory_space<vmem>>) dst(%dma_wait3A_29 : memref<128x128xf32, #tpu.memory_space<hbm>>)
        tpu.yield
      }) : () -> ()
    }
    %scan3A_4 = arith.constant 56 : i32
    return
  }
}

#map = affine_map<(d0, d1) -> (0, 0, 0)>
#map1 = affine_map<(d0, d1) -> (0, 0)>
module attributes {stable_mosaic.version = 14 : i64} {
  func.func @sc_degrees(%arg0: i32, %arg1: i32, %arg2: memref<32x32x128xi32, #tpu.memory_space<hbm>>, %arg3: memref<8064x128xf32, #tpu.memory_space<hbm>>, %arg4: memref<128x128xf32, #tpu.memory_space<hbm>>, %arg5: memref<2x8064x128xf32, #tpu.memory_space<hbm>>, %arg6: memref<32x128xi32, #tpu.memory_space<vmem>>, %arg7: memref<128x128xf32, #tpu.memory_space<vmem>>, %arg8: memref<8064x128xf32, #tpu.memory_space<vmem_shared>>) attributes {dimension_semantics = [#tpu.dimension_semantics<core_parallel>, #tpu.dimension_semantics<subcore_parallel>], iteration_bounds = array<i64: 2, 16>, scalar_prefetch = 0 : i64, scratch_operands = 3 : i64, tpu.core_type = #tpu.core_type<sc_vector_subcore>, window_params = [{transform_indices = #map}, {transform_indices = #map1}, {transform_indices = #map1}, {transform_indices = #map}]} {
    %mul3A = arith.constant 16 : i32
    %mul3A_0 = arith.muli %arg0, %mul3A : i32
    %add3A = arith.addi %mul3A_0, %arg1 : i32
    %eq3A = arith.constant 0 : i32
    %eq3A_1 = arith.cmpi eq, %arg1, %eq3A : i32
    %convert_element_type3A = arith.extui %eq3A_1 : i1 to i32
    %cond3A = arith.constant 0 : i32
    %cond3A_2 = arith.cmpi ne, %convert_element_type3A, %cond3A : i32
    scf.if %cond3A_2 {
      "tpu.region"() ({
        %run_scoped3A = tpu.sem_alloc : memref<!tpu.dma_semaphore, #tpu.memory_space<semaphore_mem>>
        tpu.enqueue_dma source(%arg3 : memref<8064x128xf32, #tpu.memory_space<hbm>>) target(%arg8 : memref<8064x128xf32, #tpu.memory_space<vmem_shared>>) target_semaphore(%run_scoped3A : memref<!tpu.dma_semaphore, #tpu.memory_space<semaphore_mem>>)
        tpu.wait_dma2 semaphore(%run_scoped3A : memref<!tpu.dma_semaphore, #tpu.memory_space<semaphore_mem>>) src(%arg3 : memref<8064x128xf32, #tpu.memory_space<hbm>>) dst(%arg8 : memref<8064x128xf32, #tpu.memory_space<vmem_shared>>)
        tpu.yield
      }) : () -> ()
    } else {
    }
    "tpu.region"() ({
      %run_scoped3A = tpu.sem_alloc : memref<!tpu.dma_semaphore, #tpu.memory_space<semaphore_mem>>
      %dma_start3A = arith.constant 0 : i32
      %dma_start3A_13 = arith.constant 0 : i32
      %dma_start3A_14 = tpu.memref_slice %arg2[%add3A, %dma_start3A, %dma_start3A_13] : memref<32x32x128xi32, #tpu.memory_space<hbm>> -> memref<1x32x128xi32, #tpu.memory_space<hbm>>
      %dma_start3A_15 = tpu.memref_squeeze %dma_start3A_14 : memref<1x32x128xi32, #tpu.memory_space<hbm>> -> memref<32x128xi32, #tpu.memory_space<hbm>>
      %dma_start3A_16 = arith.constant 0 : i32
      %dma_start3A_17 = arith.constant 0 : i32
      %dma_start3A_18 = tpu.memref_slice %arg2[%add3A, %dma_start3A_16, %dma_start3A_17] : memref<32x32x128xi32, #tpu.memory_space<hbm>> -> memref<1x32x128xi32, #tpu.memory_space<hbm>>
      %dma_start3A_19 = tpu.memref_squeeze %dma_start3A_18 : memref<1x32x128xi32, #tpu.memory_space<hbm>> -> memref<32x128xi32, #tpu.memory_space<hbm>>
      tpu.enqueue_dma source(%dma_start3A_19 : memref<32x128xi32, #tpu.memory_space<hbm>>) target(%arg6 : memref<32x128xi32, #tpu.memory_space<vmem>>) target_semaphore(%run_scoped3A : memref<!tpu.dma_semaphore, #tpu.memory_space<semaphore_mem>>)
      %dma_wait3A = arith.constant 0 : i32
      %dma_wait3A_20 = arith.constant 0 : i32
      %dma_wait3A_21 = tpu.memref_slice %arg2[%add3A, %dma_wait3A, %dma_wait3A_20] : memref<32x32x128xi32, #tpu.memory_space<hbm>> -> memref<1x32x128xi32, #tpu.memory_space<hbm>>
      %dma_wait3A_22 = tpu.memref_squeeze %dma_wait3A_21 : memref<1x32x128xi32, #tpu.memory_space<hbm>> -> memref<32x128xi32, #tpu.memory_space<hbm>>
      %dma_wait3A_23 = arith.constant 0 : i32
      %dma_wait3A_24 = arith.constant 0 : i32
      %dma_wait3A_25 = tpu.memref_slice %arg2[%add3A, %dma_wait3A_23, %dma_wait3A_24] : memref<32x32x128xi32, #tpu.memory_space<hbm>> -> memref<1x32x128xi32, #tpu.memory_space<hbm>>
      %dma_wait3A_26 = tpu.memref_squeeze %dma_wait3A_25 : memref<1x32x128xi32, #tpu.memory_space<hbm>> -> memref<32x128xi32, #tpu.memory_space<hbm>>
      tpu.wait_dma2 semaphore(%run_scoped3A : memref<!tpu.dma_semaphore, #tpu.memory_space<semaphore_mem>>) src(%dma_wait3A_26 : memref<32x128xi32, #tpu.memory_space<hbm>>) dst(%arg6 : memref<32x128xi32, #tpu.memory_space<vmem>>)
      tpu.yield
    }) : () -> ()
    "tpu.region"() ({
      %run_scoped3A = tpu.sem_alloc : memref<!tpu.dma_semaphore, #tpu.memory_space<semaphore_mem>>
      tpu.enqueue_dma source(%arg4 : memref<128x128xf32, #tpu.memory_space<hbm>>) target(%arg7 : memref<128x128xf32, #tpu.memory_space<vmem>>) target_semaphore(%run_scoped3A : memref<!tpu.dma_semaphore, #tpu.memory_space<semaphore_mem>>)
      tpu.wait_dma2 semaphore(%run_scoped3A : memref<!tpu.dma_semaphore, #tpu.memory_space<semaphore_mem>>) src(%arg4 : memref<128x128xf32, #tpu.memory_space<hbm>>) dst(%arg7 : memref<128x128xf32, #tpu.memory_space<vmem>>)
      tpu.yield
    }) : () -> ()
    %barrier3A = arith.constant 0 : index
    tpu.barrier barrier_id(%barrier3A)
    %scan3A = arith.constant 0 : i32
    %scan3A_3 = arith.constant 32 : i32
    %scan3A_4 = arith.addi %scan3A, %scan3A_3 : i32
    %scan3A_5 = arith.constant 1 : i32
    scf.for %scan3A_13 = %scan3A to %scan3A_4 step %scan3A_5  : i32 {
      %mul3A_14 = arith.constant 1 : i32
      %mul3A_15 = arith.muli %scan3A_13, %mul3A_14 : i32
      %add3A_16 = arith.constant 0 : i32
      %add3A_17 = arith.addi %add3A_16, %mul3A_15 : i32
      "tpu.region"() ({
        %run_scoped3A = tpu.sem_alloc : memref<!tpu.dma_semaphore, #tpu.memory_space<semaphore_mem>>
        %dma_start3A = arith.constant 0 : i32
        %dma_start3A_18 = tpu.memref_slice %arg6[%add3A_17, %dma_start3A] : memref<32x128xi32, #tpu.memory_space<vmem>> -> memref<1x128xi32, #tpu.memory_space<vmem>>
        %dma_start3A_19 = tpu.memref_squeeze %dma_start3A_18 : memref<1x128xi32, #tpu.memory_space<vmem>> -> memref<128xi32, #tpu.memory_space<vmem>>
        %dma_start3A_20 = arith.constant 0 : i32
        %dma_start3A_21 = arith.constant 0 : i32
        %dma_start3A_22 = tpu.memref_slice %arg8[%dma_start3A_20, %dma_start3A_21] : memref<8064x128xf32, #tpu.memory_space<vmem_shared>> -> memref<8064x128xf32, #tpu.memory_space<vmem_shared>>
        tpu.enqueue_indirect_dma source(%arg7 : memref<128x128xf32, #tpu.memory_space<vmem>>) target(%dma_start3A_22 : memref<8064x128xf32, #tpu.memory_space<vmem_shared>>) offsets(%dma_start3A_19 : memref<128xi32, #tpu.memory_space<vmem>>) semaphore(%run_scoped3A : memref<!tpu.dma_semaphore, #tpu.memory_space<semaphore_mem>>) {add = true}
        %dma_wait3A = arith.constant 0 : i32
        %dma_wait3A_23 = tpu.memref_slice %arg6[%add3A_17, %dma_wait3A] : memref<32x128xi32, #tpu.memory_space<vmem>> -> memref<1x128xi32, #tpu.memory_space<vmem>>
        %dma_wait3A_24 = tpu.memref_squeeze %dma_wait3A_23 : memref<1x128xi32, #tpu.memory_space<vmem>> -> memref<128xi32, #tpu.memory_space<vmem>>
        %dma_wait3A_25 = arith.constant 0 : i32
        %dma_wait3A_26 = arith.constant 0 : i32
        %dma_wait3A_27 = tpu.memref_slice %arg8[%dma_wait3A_25, %dma_wait3A_26] : memref<8064x128xf32, #tpu.memory_space<vmem_shared>> -> memref<8064x128xf32, #tpu.memory_space<vmem_shared>>
        tpu.wait_indirect_dma semaphore(%run_scoped3A : memref<!tpu.dma_semaphore, #tpu.memory_space<semaphore_mem>>) src(%arg7 : memref<128x128xf32, #tpu.memory_space<vmem>>) dst(%dma_wait3A_27 : memref<8064x128xf32, #tpu.memory_space<vmem_shared>>)
        tpu.yield
      }) : () -> ()
    }
    %scan3A_6 = arith.constant 32 : i32
    %barrier3A_7 = arith.constant 0 : index
    tpu.barrier barrier_id(%barrier3A_7)
    %eq3A_8 = arith.constant 0 : i32
    %eq3A_9 = arith.cmpi eq, %arg1, %eq3A_8 : i32
    %convert_element_type3A_10 = arith.extui %eq3A_9 : i1 to i32
    %cond3A_11 = arith.constant 0 : i32
    %cond3A_12 = arith.cmpi ne, %convert_element_type3A_10, %cond3A_11 : i32
    scf.if %cond3A_12 {
      "tpu.region"() ({
        %run_scoped3A = tpu.sem_alloc : memref<!tpu.dma_semaphore, #tpu.memory_space<semaphore_mem>>
        %dma_start3A = arith.constant 0 : i32
        %dma_start3A_13 = arith.constant 0 : i32
        %dma_start3A_14 = tpu.memref_slice %arg5[%arg0, %dma_start3A, %dma_start3A_13] : memref<2x8064x128xf32, #tpu.memory_space<hbm>> -> memref<1x8064x128xf32, #tpu.memory_space<hbm>>
        %dma_start3A_15 = tpu.memref_squeeze %dma_start3A_14 : memref<1x8064x128xf32, #tpu.memory_space<hbm>> -> memref<8064x128xf32, #tpu.memory_space<hbm>>
        tpu.enqueue_dma source(%arg8 : memref<8064x128xf32, #tpu.memory_space<vmem_shared>>) target(%dma_start3A_15 : memref<8064x128xf32, #tpu.memory_space<hbm>>) target_semaphore(%run_scoped3A : memref<!tpu.dma_semaphore, #tpu.memory_space<semaphore_mem>>)
        %dma_wait3A = arith.constant 0 : i32
        %dma_wait3A_16 = arith.constant 0 : i32
        %dma_wait3A_17 = tpu.memref_slice %arg5[%arg0, %dma_wait3A, %dma_wait3A_16] : memref<2x8064x128xf32, #tpu.memory_space<hbm>> -> memref<1x8064x128xf32, #tpu.memory_space<hbm>>
        %dma_wait3A_18 = tpu.memref_squeeze %dma_wait3A_17 : memref<1x8064x128xf32, #tpu.memory_space<hbm>> -> memref<8064x128xf32, #tpu.memory_space<hbm>>
        tpu.wait_dma2 semaphore(%run_scoped3A : memref<!tpu.dma_semaphore, #tpu.memory_space<semaphore_mem>>) src(%arg8 : memref<8064x128xf32, #tpu.memory_space<vmem_shared>>) dst(%dma_wait3A_18 : memref<8064x128xf32, #tpu.memory_space<hbm>>)
        tpu.yield
      }) : () -> ()
    } else {
    }
    return
  }
}

#map = affine_map<(d0, d1) -> (0, 0)>
#map1 = affine_map<(d0, d1) -> (0, 0, 0)>
module attributes {stable_mosaic.version = 14 : i64} {
  func.func @sc_segment_sum(%arg0: i32, %arg1: i32, %arg2: memref<8000x128xf32, #tpu.memory_space<hbm>>, %arg3: memref<32x32x128xi32, #tpu.memory_space<hbm>>, %arg4: memref<32x32x128xi32, #tpu.memory_space<hbm>>, %arg5: memref<8064x128xf32, #tpu.memory_space<hbm>>, %arg6: memref<2x8064x128xf32, #tpu.memory_space<hbm>>, %arg7: memref<32x128xi32, #tpu.memory_space<vmem>>, %arg8: memref<32x128xi32, #tpu.memory_space<vmem>>, %arg9: memref<128x128xf32, #tpu.memory_space<vmem>>, %arg10: memref<8064x128xf32, #tpu.memory_space<vmem_shared>>) attributes {dimension_semantics = [#tpu.dimension_semantics<core_parallel>, #tpu.dimension_semantics<subcore_parallel>], iteration_bounds = array<i64: 2, 16>, scalar_prefetch = 0 : i64, scratch_operands = 4 : i64, tpu.core_type = #tpu.core_type<sc_vector_subcore>, window_params = [{transform_indices = #map}, {transform_indices = #map1}, {transform_indices = #map1}, {transform_indices = #map}, {transform_indices = #map1}]} {
    %mul3A = arith.constant 16 : i32
    %mul3A_0 = arith.muli %arg0, %mul3A : i32
    %add3A = arith.addi %mul3A_0, %arg1 : i32
    %eq3A = arith.constant 0 : i32
    %eq3A_1 = arith.cmpi eq, %arg1, %eq3A : i32
    %convert_element_type3A = arith.extui %eq3A_1 : i1 to i32
    %cond3A = arith.constant 0 : i32
    %cond3A_2 = arith.cmpi ne, %convert_element_type3A, %cond3A : i32
    scf.if %cond3A_2 {
      "tpu.region"() ({
        %run_scoped3A = tpu.sem_alloc : memref<!tpu.dma_semaphore, #tpu.memory_space<semaphore_mem>>
        tpu.enqueue_dma source(%arg5 : memref<8064x128xf32, #tpu.memory_space<hbm>>) target(%arg10 : memref<8064x128xf32, #tpu.memory_space<vmem_shared>>) target_semaphore(%run_scoped3A : memref<!tpu.dma_semaphore, #tpu.memory_space<semaphore_mem>>)
        tpu.wait_dma2 semaphore(%run_scoped3A : memref<!tpu.dma_semaphore, #tpu.memory_space<semaphore_mem>>) src(%arg5 : memref<8064x128xf32, #tpu.memory_space<hbm>>) dst(%arg10 : memref<8064x128xf32, #tpu.memory_space<vmem_shared>>)
        tpu.yield
      }) : () -> ()
    } else {
    }
    "tpu.region"() ({
      %run_scoped3A = tpu.sem_alloc : memref<!tpu.dma_semaphore, #tpu.memory_space<semaphore_mem>>
      %dma_start3A = arith.constant 0 : i32
      %dma_start3A_13 = arith.constant 0 : i32
      %dma_start3A_14 = tpu.memref_slice %arg3[%add3A, %dma_start3A, %dma_start3A_13] : memref<32x32x128xi32, #tpu.memory_space<hbm>> -> memref<1x32x128xi32, #tpu.memory_space<hbm>>
      %dma_start3A_15 = tpu.memref_squeeze %dma_start3A_14 : memref<1x32x128xi32, #tpu.memory_space<hbm>> -> memref<32x128xi32, #tpu.memory_space<hbm>>
      %dma_start3A_16 = arith.constant 0 : i32
      %dma_start3A_17 = arith.constant 0 : i32
      %dma_start3A_18 = tpu.memref_slice %arg3[%add3A, %dma_start3A_16, %dma_start3A_17] : memref<32x32x128xi32, #tpu.memory_space<hbm>> -> memref<1x32x128xi32, #tpu.memory_space<hbm>>
      %dma_start3A_19 = tpu.memref_squeeze %dma_start3A_18 : memref<1x32x128xi32, #tpu.memory_space<hbm>> -> memref<32x128xi32, #tpu.memory_space<hbm>>
      tpu.enqueue_dma source(%dma_start3A_19 : memref<32x128xi32, #tpu.memory_space<hbm>>) target(%arg7 : memref<32x128xi32, #tpu.memory_space<vmem>>) target_semaphore(%run_scoped3A : memref<!tpu.dma_semaphore, #tpu.memory_space<semaphore_mem>>)
      %dma_wait3A = arith.constant 0 : i32
      %dma_wait3A_20 = arith.constant 0 : i32
      %dma_wait3A_21 = tpu.memref_slice %arg3[%add3A, %dma_wait3A, %dma_wait3A_20] : memref<32x32x128xi32, #tpu.memory_space<hbm>> -> memref<1x32x128xi32, #tpu.memory_space<hbm>>
      %dma_wait3A_22 = tpu.memref_squeeze %dma_wait3A_21 : memref<1x32x128xi32, #tpu.memory_space<hbm>> -> memref<32x128xi32, #tpu.memory_space<hbm>>
      %dma_wait3A_23 = arith.constant 0 : i32
      %dma_wait3A_24 = arith.constant 0 : i32
      %dma_wait3A_25 = tpu.memref_slice %arg3[%add3A, %dma_wait3A_23, %dma_wait3A_24] : memref<32x32x128xi32, #tpu.memory_space<hbm>> -> memref<1x32x128xi32, #tpu.memory_space<hbm>>
      %dma_wait3A_26 = tpu.memref_squeeze %dma_wait3A_25 : memref<1x32x128xi32, #tpu.memory_space<hbm>> -> memref<32x128xi32, #tpu.memory_space<hbm>>
      tpu.wait_dma2 semaphore(%run_scoped3A : memref<!tpu.dma_semaphore, #tpu.memory_space<semaphore_mem>>) src(%dma_wait3A_26 : memref<32x128xi32, #tpu.memory_space<hbm>>) dst(%arg7 : memref<32x128xi32, #tpu.memory_space<vmem>>)
      tpu.yield
    }) : () -> ()
    "tpu.region"() ({
      %run_scoped3A = tpu.sem_alloc : memref<!tpu.dma_semaphore, #tpu.memory_space<semaphore_mem>>
      %dma_start3A = arith.constant 0 : i32
      %dma_start3A_13 = arith.constant 0 : i32
      %dma_start3A_14 = tpu.memref_slice %arg4[%add3A, %dma_start3A, %dma_start3A_13] : memref<32x32x128xi32, #tpu.memory_space<hbm>> -> memref<1x32x128xi32, #tpu.memory_space<hbm>>
      %dma_start3A_15 = tpu.memref_squeeze %dma_start3A_14 : memref<1x32x128xi32, #tpu.memory_space<hbm>> -> memref<32x128xi32, #tpu.memory_space<hbm>>
      %dma_start3A_16 = arith.constant 0 : i32
      %dma_start3A_17 = arith.constant 0 : i32
      %dma_start3A_18 = tpu.memref_slice %arg4[%add3A, %dma_start3A_16, %dma_start3A_17] : memref<32x32x128xi32, #tpu.memory_space<hbm>> -> memref<1x32x128xi32, #tpu.memory_space<hbm>>
      %dma_start3A_19 = tpu.memref_squeeze %dma_start3A_18 : memref<1x32x128xi32, #tpu.memory_space<hbm>> -> memref<32x128xi32, #tpu.memory_space<hbm>>
      tpu.enqueue_dma source(%dma_start3A_19 : memref<32x128xi32, #tpu.memory_space<hbm>>) target(%arg8 : memref<32x128xi32, #tpu.memory_space<vmem>>) target_semaphore(%run_scoped3A : memref<!tpu.dma_semaphore, #tpu.memory_space<semaphore_mem>>)
      %dma_wait3A = arith.constant 0 : i32
      %dma_wait3A_20 = arith.constant 0 : i32
      %dma_wait3A_21 = tpu.memref_slice %arg4[%add3A, %dma_wait3A, %dma_wait3A_20] : memref<32x32x128xi32, #tpu.memory_space<hbm>> -> memref<1x32x128xi32, #tpu.memory_space<hbm>>
      %dma_wait3A_22 = tpu.memref_squeeze %dma_wait3A_21 : memref<1x32x128xi32, #tpu.memory_space<hbm>> -> memref<32x128xi32, #tpu.memory_space<hbm>>
      %dma_wait3A_23 = arith.constant 0 : i32
      %dma_wait3A_24 = arith.constant 0 : i32
      %dma_wait3A_25 = tpu.memref_slice %arg4[%add3A, %dma_wait3A_23, %dma_wait3A_24] : memref<32x32x128xi32, #tpu.memory_space<hbm>> -> memref<1x32x128xi32, #tpu.memory_space<hbm>>
      %dma_wait3A_26 = tpu.memref_squeeze %dma_wait3A_25 : memref<1x32x128xi32, #tpu.memory_space<hbm>> -> memref<32x128xi32, #tpu.memory_space<hbm>>
      tpu.wait_dma2 semaphore(%run_scoped3A : memref<!tpu.dma_semaphore, #tpu.memory_space<semaphore_mem>>) src(%dma_wait3A_26 : memref<32x128xi32, #tpu.memory_space<hbm>>) dst(%arg8 : memref<32x128xi32, #tpu.memory_space<vmem>>)
      tpu.yield
    }) : () -> ()
    %barrier3A = arith.constant 0 : index
    tpu.barrier barrier_id(%barrier3A)
    %scan3A = arith.constant 0 : i32
    %scan3A_3 = arith.constant 32 : i32
    %scan3A_4 = arith.addi %scan3A, %scan3A_3 : i32
    %scan3A_5 = arith.constant 1 : i32
    scf.for %scan3A_13 = %scan3A to %scan3A_4 step %scan3A_5  : i32 {
      %mul3A_14 = arith.constant 1 : i32
      %mul3A_15 = arith.muli %scan3A_13, %mul3A_14 : i32
      %add3A_16 = arith.constant 0 : i32
      %add3A_17 = arith.addi %add3A_16, %mul3A_15 : i32
      "tpu.region"() ({
        %run_scoped3A = tpu.sem_alloc : memref<!tpu.dma_semaphore, #tpu.memory_space<semaphore_mem>>
        %dma_start3A = arith.constant 0 : i32
        %dma_start3A_18 = tpu.memref_slice %arg7[%add3A_17, %dma_start3A] : memref<32x128xi32, #tpu.memory_space<vmem>> -> memref<1x128xi32, #tpu.memory_space<vmem>>
        %dma_start3A_19 = tpu.memref_squeeze %dma_start3A_18 : memref<1x128xi32, #tpu.memory_space<vmem>> -> memref<128xi32, #tpu.memory_space<vmem>>
        %dma_start3A_20 = arith.constant 0 : i32
        %dma_start3A_21 = arith.constant 0 : i32
        %dma_start3A_22 = tpu.memref_slice %arg2[%dma_start3A_20, %dma_start3A_21] : memref<8000x128xf32, #tpu.memory_space<hbm>> -> memref<8000x128xf32, #tpu.memory_space<hbm>>
        tpu.enqueue_indirect_dma source(%dma_start3A_22 : memref<8000x128xf32, #tpu.memory_space<hbm>>) target(%arg9 : memref<128x128xf32, #tpu.memory_space<vmem>>) offsets(%dma_start3A_19 : memref<128xi32, #tpu.memory_space<vmem>>) semaphore(%run_scoped3A : memref<!tpu.dma_semaphore, #tpu.memory_space<semaphore_mem>>)
        %dma_wait3A = arith.constant 0 : i32
        %dma_wait3A_23 = tpu.memref_slice %arg7[%add3A_17, %dma_wait3A] : memref<32x128xi32, #tpu.memory_space<vmem>> -> memref<1x128xi32, #tpu.memory_space<vmem>>
        %dma_wait3A_24 = tpu.memref_squeeze %dma_wait3A_23 : memref<1x128xi32, #tpu.memory_space<vmem>> -> memref<128xi32, #tpu.memory_space<vmem>>
        %dma_wait3A_25 = arith.constant 0 : i32
        %dma_wait3A_26 = arith.constant 0 : i32
        %dma_wait3A_27 = tpu.memref_slice %arg2[%dma_wait3A_25, %dma_wait3A_26] : memref<8000x128xf32, #tpu.memory_space<hbm>> -> memref<8000x128xf32, #tpu.memory_space<hbm>>
        tpu.wait_indirect_dma semaphore(%run_scoped3A : memref<!tpu.dma_semaphore, #tpu.memory_space<semaphore_mem>>) src(%dma_wait3A_27 : memref<8000x128xf32, #tpu.memory_space<hbm>>) dst(%arg9 : memref<128x128xf32, #tpu.memory_space<vmem>>)
        tpu.yield
      }) : () -> ()
      "tpu.region"() ({
        %run_scoped3A = tpu.sem_alloc : memref<!tpu.dma_semaphore, #tpu.memory_space<semaphore_mem>>
        %dma_start3A = arith.constant 0 : i32
        %dma_start3A_18 = tpu.memref_slice %arg8[%add3A_17, %dma_start3A] : memref<32x128xi32, #tpu.memory_space<vmem>> -> memref<1x128xi32, #tpu.memory_space<vmem>>
        %dma_start3A_19 = tpu.memref_squeeze %dma_start3A_18 : memref<1x128xi32, #tpu.memory_space<vmem>> -> memref<128xi32, #tpu.memory_space<vmem>>
        %dma_start3A_20 = arith.constant 0 : i32
        %dma_start3A_21 = arith.constant 0 : i32
        %dma_start3A_22 = tpu.memref_slice %arg10[%dma_start3A_20, %dma_start3A_21] : memref<8064x128xf32, #tpu.memory_space<vmem_shared>> -> memref<8064x128xf32, #tpu.memory_space<vmem_shared>>
        tpu.enqueue_indirect_dma source(%arg9 : memref<128x128xf32, #tpu.memory_space<vmem>>) target(%dma_start3A_22 : memref<8064x128xf32, #tpu.memory_space<vmem_shared>>) offsets(%dma_start3A_19 : memref<128xi32, #tpu.memory_space<vmem>>) semaphore(%run_scoped3A : memref<!tpu.dma_semaphore, #tpu.memory_space<semaphore_mem>>) {add = true}
        %dma_wait3A = arith.constant 0 : i32
        %dma_wait3A_23 = tpu.memref_slice %arg8[%add3A_17, %dma_wait3A] : memref<32x128xi32, #tpu.memory_space<vmem>> -> memref<1x128xi32, #tpu.memory_space<vmem>>
        %dma_wait3A_24 = tpu.memref_squeeze %dma_wait3A_23 : memref<1x128xi32, #tpu.memory_space<vmem>> -> memref<128xi32, #tpu.memory_space<vmem>>
        %dma_wait3A_25 = arith.constant 0 : i32
        %dma_wait3A_26 = arith.constant 0 : i32
        %dma_wait3A_27 = tpu.memref_slice %arg10[%dma_wait3A_25, %dma_wait3A_26] : memref<8064x128xf32, #tpu.memory_space<vmem_shared>> -> memref<8064x128xf32, #tpu.memory_space<vmem_shared>>
        tpu.wait_indirect_dma semaphore(%run_scoped3A : memref<!tpu.dma_semaphore, #tpu.memory_space<semaphore_mem>>) src(%arg9 : memref<128x128xf32, #tpu.memory_space<vmem>>) dst(%dma_wait3A_27 : memref<8064x128xf32, #tpu.memory_space<vmem_shared>>)
        tpu.yield
      }) : () -> ()
    }
    %scan3A_6 = arith.constant 32 : i32
    %barrier3A_7 = arith.constant 0 : index
    tpu.barrier barrier_id(%barrier3A_7)
    %eq3A_8 = arith.constant 0 : i32
    %eq3A_9 = arith.cmpi eq, %arg1, %eq3A_8 : i32
    %convert_element_type3A_10 = arith.extui %eq3A_9 : i1 to i32
    %cond3A_11 = arith.constant 0 : i32
    %cond3A_12 = arith.cmpi ne, %convert_element_type3A_10, %cond3A_11 : i32
    scf.if %cond3A_12 {
      "tpu.region"() ({
        %run_scoped3A = tpu.sem_alloc : memref<!tpu.dma_semaphore, #tpu.memory_space<semaphore_mem>>
        %dma_start3A = arith.constant 0 : i32
        %dma_start3A_13 = arith.constant 0 : i32
        %dma_start3A_14 = tpu.memref_slice %arg6[%arg0, %dma_start3A, %dma_start3A_13] : memref<2x8064x128xf32, #tpu.memory_space<hbm>> -> memref<1x8064x128xf32, #tpu.memory_space<hbm>>
        %dma_start3A_15 = tpu.memref_squeeze %dma_start3A_14 : memref<1x8064x128xf32, #tpu.memory_space<hbm>> -> memref<8064x128xf32, #tpu.memory_space<hbm>>
        tpu.enqueue_dma source(%arg10 : memref<8064x128xf32, #tpu.memory_space<vmem_shared>>) target(%dma_start3A_15 : memref<8064x128xf32, #tpu.memory_space<hbm>>) target_semaphore(%run_scoped3A : memref<!tpu.dma_semaphore, #tpu.memory_space<semaphore_mem>>)
        %dma_wait3A = arith.constant 0 : i32
        %dma_wait3A_16 = arith.constant 0 : i32
        %dma_wait3A_17 = tpu.memref_slice %arg6[%arg0, %dma_wait3A, %dma_wait3A_16] : memref<2x8064x128xf32, #tpu.memory_space<hbm>> -> memref<1x8064x128xf32, #tpu.memory_space<hbm>>
        %dma_wait3A_18 = tpu.memref_squeeze %dma_wait3A_17 : memref<1x8064x128xf32, #tpu.memory_space<hbm>> -> memref<8064x128xf32, #tpu.memory_space<hbm>>
        tpu.wait_dma2 semaphore(%run_scoped3A : memref<!tpu.dma_semaphore, #tpu.memory_space<semaphore_mem>>) src(%arg10 : memref<8064x128xf32, #tpu.memory_space<vmem_shared>>) dst(%dma_wait3A_18 : memref<8064x128xf32, #tpu.memory_space<hbm>>)
        tpu.yield
      }) : () -> ()
    } else {
    }
    return
  }
}

#map = affine_map<(d0, d1) -> (0, 0)>
#map1 = affine_map<(d0, d1) -> (0, 0, 0)>
module attributes {stable_mosaic.version = 14 : i64} {
  func.func @sc_segment_sum(%arg0: i32, %arg1: i32, %arg2: memref<8000x128xf32, #tpu.memory_space<hbm>>, %arg3: memref<32x32x128xi32, #tpu.memory_space<hbm>>, %arg4: memref<32x32x128xi32, #tpu.memory_space<hbm>>, %arg5: memref<8064x128xf32, #tpu.memory_space<hbm>>, %arg6: memref<2x8064x128xf32, #tpu.memory_space<hbm>>, %arg7: memref<32x128xi32, #tpu.memory_space<vmem>>, %arg8: memref<32x128xi32, #tpu.memory_space<vmem>>, %arg9: memref<128x128xf32, #tpu.memory_space<vmem>>, %arg10: memref<8064x128xf32, #tpu.memory_space<vmem_shared>>) attributes {dimension_semantics = [#tpu.dimension_semantics<core_parallel>, #tpu.dimension_semantics<subcore_parallel>], iteration_bounds = array<i64: 2, 16>, scalar_prefetch = 0 : i64, scratch_operands = 4 : i64, tpu.core_type = #tpu.core_type<sc_vector_subcore>, window_params = [{transform_indices = #map}, {transform_indices = #map1}, {transform_indices = #map1}, {transform_indices = #map}, {transform_indices = #map1}]} {
    %mul3A = arith.constant 16 : i32
    %mul3A_0 = arith.muli %arg0, %mul3A : i32
    %add3A = arith.addi %mul3A_0, %arg1 : i32
    %eq3A = arith.constant 0 : i32
    %eq3A_1 = arith.cmpi eq, %arg1, %eq3A : i32
    %convert_element_type3A = arith.extui %eq3A_1 : i1 to i32
    %cond3A = arith.constant 0 : i32
    %cond3A_2 = arith.cmpi ne, %convert_element_type3A, %cond3A : i32
    scf.if %cond3A_2 {
      "tpu.region"() ({
        %run_scoped3A = tpu.sem_alloc : memref<!tpu.dma_semaphore, #tpu.memory_space<semaphore_mem>>
        tpu.enqueue_dma source(%arg5 : memref<8064x128xf32, #tpu.memory_space<hbm>>) target(%arg10 : memref<8064x128xf32, #tpu.memory_space<vmem_shared>>) target_semaphore(%run_scoped3A : memref<!tpu.dma_semaphore, #tpu.memory_space<semaphore_mem>>)
        tpu.wait_dma2 semaphore(%run_scoped3A : memref<!tpu.dma_semaphore, #tpu.memory_space<semaphore_mem>>) src(%arg5 : memref<8064x128xf32, #tpu.memory_space<hbm>>) dst(%arg10 : memref<8064x128xf32, #tpu.memory_space<vmem_shared>>)
        tpu.yield
      }) : () -> ()
    } else {
    }
    "tpu.region"() ({
      %run_scoped3A = tpu.sem_alloc : memref<!tpu.dma_semaphore, #tpu.memory_space<semaphore_mem>>
      %dma_start3A = arith.constant 0 : i32
      %dma_start3A_13 = arith.constant 0 : i32
      %dma_start3A_14 = tpu.memref_slice %arg3[%add3A, %dma_start3A, %dma_start3A_13] : memref<32x32x128xi32, #tpu.memory_space<hbm>> -> memref<1x32x128xi32, #tpu.memory_space<hbm>>
      %dma_start3A_15 = tpu.memref_squeeze %dma_start3A_14 : memref<1x32x128xi32, #tpu.memory_space<hbm>> -> memref<32x128xi32, #tpu.memory_space<hbm>>
      %dma_start3A_16 = arith.constant 0 : i32
      %dma_start3A_17 = arith.constant 0 : i32
      %dma_start3A_18 = tpu.memref_slice %arg3[%add3A, %dma_start3A_16, %dma_start3A_17] : memref<32x32x128xi32, #tpu.memory_space<hbm>> -> memref<1x32x128xi32, #tpu.memory_space<hbm>>
      %dma_start3A_19 = tpu.memref_squeeze %dma_start3A_18 : memref<1x32x128xi32, #tpu.memory_space<hbm>> -> memref<32x128xi32, #tpu.memory_space<hbm>>
      tpu.enqueue_dma source(%dma_start3A_19 : memref<32x128xi32, #tpu.memory_space<hbm>>) target(%arg7 : memref<32x128xi32, #tpu.memory_space<vmem>>) target_semaphore(%run_scoped3A : memref<!tpu.dma_semaphore, #tpu.memory_space<semaphore_mem>>)
      %dma_wait3A = arith.constant 0 : i32
      %dma_wait3A_20 = arith.constant 0 : i32
      %dma_wait3A_21 = tpu.memref_slice %arg3[%add3A, %dma_wait3A, %dma_wait3A_20] : memref<32x32x128xi32, #tpu.memory_space<hbm>> -> memref<1x32x128xi32, #tpu.memory_space<hbm>>
      %dma_wait3A_22 = tpu.memref_squeeze %dma_wait3A_21 : memref<1x32x128xi32, #tpu.memory_space<hbm>> -> memref<32x128xi32, #tpu.memory_space<hbm>>
      %dma_wait3A_23 = arith.constant 0 : i32
      %dma_wait3A_24 = arith.constant 0 : i32
      %dma_wait3A_25 = tpu.memref_slice %arg3[%add3A, %dma_wait3A_23, %dma_wait3A_24] : memref<32x32x128xi32, #tpu.memory_space<hbm>> -> memref<1x32x128xi32, #tpu.memory_space<hbm>>
      %dma_wait3A_26 = tpu.memref_squeeze %dma_wait3A_25 : memref<1x32x128xi32, #tpu.memory_space<hbm>> -> memref<32x128xi32, #tpu.memory_space<hbm>>
      tpu.wait_dma2 semaphore(%run_scoped3A : memref<!tpu.dma_semaphore, #tpu.memory_space<semaphore_mem>>) src(%dma_wait3A_26 : memref<32x128xi32, #tpu.memory_space<hbm>>) dst(%arg7 : memref<32x128xi32, #tpu.memory_space<vmem>>)
      tpu.yield
    }) : () -> ()
    "tpu.region"() ({
      %run_scoped3A = tpu.sem_alloc : memref<!tpu.dma_semaphore, #tpu.memory_space<semaphore_mem>>
      %dma_start3A = arith.constant 0 : i32
      %dma_start3A_13 = arith.constant 0 : i32
      %dma_start3A_14 = tpu.memref_slice %arg4[%add3A, %dma_start3A, %dma_start3A_13] : memref<32x32x128xi32, #tpu.memory_space<hbm>> -> memref<1x32x128xi32, #tpu.memory_space<hbm>>
      %dma_start3A_15 = tpu.memref_squeeze %dma_start3A_14 : memref<1x32x128xi32, #tpu.memory_space<hbm>> -> memref<32x128xi32, #tpu.memory_space<hbm>>
      %dma_start3A_16 = arith.constant 0 : i32
      %dma_start3A_17 = arith.constant 0 : i32
      %dma_start3A_18 = tpu.memref_slice %arg4[%add3A, %dma_start3A_16, %dma_start3A_17] : memref<32x32x128xi32, #tpu.memory_space<hbm>> -> memref<1x32x128xi32, #tpu.memory_space<hbm>>
      %dma_start3A_19 = tpu.memref_squeeze %dma_start3A_18 : memref<1x32x128xi32, #tpu.memory_space<hbm>> -> memref<32x128xi32, #tpu.memory_space<hbm>>
      tpu.enqueue_dma source(%dma_start3A_19 : memref<32x128xi32, #tpu.memory_space<hbm>>) target(%arg8 : memref<32x128xi32, #tpu.memory_space<vmem>>) target_semaphore(%run_scoped3A : memref<!tpu.dma_semaphore, #tpu.memory_space<semaphore_mem>>)
      %dma_wait3A = arith.constant 0 : i32
      %dma_wait3A_20 = arith.constant 0 : i32
      %dma_wait3A_21 = tpu.memref_slice %arg4[%add3A, %dma_wait3A, %dma_wait3A_20] : memref<32x32x128xi32, #tpu.memory_space<hbm>> -> memref<1x32x128xi32, #tpu.memory_space<hbm>>
      %dma_wait3A_22 = tpu.memref_squeeze %dma_wait3A_21 : memref<1x32x128xi32, #tpu.memory_space<hbm>> -> memref<32x128xi32, #tpu.memory_space<hbm>>
      %dma_wait3A_23 = arith.constant 0 : i32
      %dma_wait3A_24 = arith.constant 0 : i32
      %dma_wait3A_25 = tpu.memref_slice %arg4[%add3A, %dma_wait3A_23, %dma_wait3A_24] : memref<32x32x128xi32, #tpu.memory_space<hbm>> -> memref<1x32x128xi32, #tpu.memory_space<hbm>>
      %dma_wait3A_26 = tpu.memref_squeeze %dma_wait3A_25 : memref<1x32x128xi32, #tpu.memory_space<hbm>> -> memref<32x128xi32, #tpu.memory_space<hbm>>
      tpu.wait_dma2 semaphore(%run_scoped3A : memref<!tpu.dma_semaphore, #tpu.memory_space<semaphore_mem>>) src(%dma_wait3A_26 : memref<32x128xi32, #tpu.memory_space<hbm>>) dst(%arg8 : memref<32x128xi32, #tpu.memory_space<vmem>>)
      tpu.yield
    }) : () -> ()
    %barrier3A = arith.constant 0 : index
    tpu.barrier barrier_id(%barrier3A)
    %scan3A = arith.constant 0 : i32
    %scan3A_3 = arith.constant 32 : i32
    %scan3A_4 = arith.addi %scan3A, %scan3A_3 : i32
    %scan3A_5 = arith.constant 1 : i32
    scf.for %scan3A_13 = %scan3A to %scan3A_4 step %scan3A_5  : i32 {
      %mul3A_14 = arith.constant 1 : i32
      %mul3A_15 = arith.muli %scan3A_13, %mul3A_14 : i32
      %add3A_16 = arith.constant 0 : i32
      %add3A_17 = arith.addi %add3A_16, %mul3A_15 : i32
      "tpu.region"() ({
        %run_scoped3A = tpu.sem_alloc : memref<!tpu.dma_semaphore, #tpu.memory_space<semaphore_mem>>
        %dma_start3A = arith.constant 0 : i32
        %dma_start3A_18 = tpu.memref_slice %arg7[%add3A_17, %dma_start3A] : memref<32x128xi32, #tpu.memory_space<vmem>> -> memref<1x128xi32, #tpu.memory_space<vmem>>
        %dma_start3A_19 = tpu.memref_squeeze %dma_start3A_18 : memref<1x128xi32, #tpu.memory_space<vmem>> -> memref<128xi32, #tpu.memory_space<vmem>>
        %dma_start3A_20 = arith.constant 0 : i32
        %dma_start3A_21 = arith.constant 0 : i32
        %dma_start3A_22 = tpu.memref_slice %arg2[%dma_start3A_20, %dma_start3A_21] : memref<8000x128xf32, #tpu.memory_space<hbm>> -> memref<8000x128xf32, #tpu.memory_space<hbm>>
        tpu.enqueue_indirect_dma source(%dma_start3A_22 : memref<8000x128xf32, #tpu.memory_space<hbm>>) target(%arg9 : memref<128x128xf32, #tpu.memory_space<vmem>>) offsets(%dma_start3A_19 : memref<128xi32, #tpu.memory_space<vmem>>) semaphore(%run_scoped3A : memref<!tpu.dma_semaphore, #tpu.memory_space<semaphore_mem>>)
        %dma_wait3A = arith.constant 0 : i32
        %dma_wait3A_23 = tpu.memref_slice %arg7[%add3A_17, %dma_wait3A] : memref<32x128xi32, #tpu.memory_space<vmem>> -> memref<1x128xi32, #tpu.memory_space<vmem>>
        %dma_wait3A_24 = tpu.memref_squeeze %dma_wait3A_23 : memref<1x128xi32, #tpu.memory_space<vmem>> -> memref<128xi32, #tpu.memory_space<vmem>>
        %dma_wait3A_25 = arith.constant 0 : i32
        %dma_wait3A_26 = arith.constant 0 : i32
        %dma_wait3A_27 = tpu.memref_slice %arg2[%dma_wait3A_25, %dma_wait3A_26] : memref<8000x128xf32, #tpu.memory_space<hbm>> -> memref<8000x128xf32, #tpu.memory_space<hbm>>
        tpu.wait_indirect_dma semaphore(%run_scoped3A : memref<!tpu.dma_semaphore, #tpu.memory_space<semaphore_mem>>) src(%dma_wait3A_27 : memref<8000x128xf32, #tpu.memory_space<hbm>>) dst(%arg9 : memref<128x128xf32, #tpu.memory_space<vmem>>)
        tpu.yield
      }) : () -> ()
      "tpu.region"() ({
        %run_scoped3A = tpu.sem_alloc : memref<!tpu.dma_semaphore, #tpu.memory_space<semaphore_mem>>
        %dma_start3A = arith.constant 0 : i32
        %dma_start3A_18 = tpu.memref_slice %arg8[%add3A_17, %dma_start3A] : memref<32x128xi32, #tpu.memory_space<vmem>> -> memref<1x128xi32, #tpu.memory_space<vmem>>
        %dma_start3A_19 = tpu.memref_squeeze %dma_start3A_18 : memref<1x128xi32, #tpu.memory_space<vmem>> -> memref<128xi32, #tpu.memory_space<vmem>>
        %dma_start3A_20 = arith.constant 0 : i32
        %dma_start3A_21 = arith.constant 0 : i32
        %dma_start3A_22 = tpu.memref_slice %arg10[%dma_start3A_20, %dma_start3A_21] : memref<8064x128xf32, #tpu.memory_space<vmem_shared>> -> memref<8064x128xf32, #tpu.memory_space<vmem_shared>>
        tpu.enqueue_indirect_dma source(%arg9 : memref<128x128xf32, #tpu.memory_space<vmem>>) target(%dma_start3A_22 : memref<8064x128xf32, #tpu.memory_space<vmem_shared>>) offsets(%dma_start3A_19 : memref<128xi32, #tpu.memory_space<vmem>>) semaphore(%run_scoped3A : memref<!tpu.dma_semaphore, #tpu.memory_space<semaphore_mem>>) {add = true}
        %dma_wait3A = arith.constant 0 : i32
        %dma_wait3A_23 = tpu.memref_slice %arg8[%add3A_17, %dma_wait3A] : memref<32x128xi32, #tpu.memory_space<vmem>> -> memref<1x128xi32, #tpu.memory_space<vmem>>
        %dma_wait3A_24 = tpu.memref_squeeze %dma_wait3A_23 : memref<1x128xi32, #tpu.memory_space<vmem>> -> memref<128xi32, #tpu.memory_space<vmem>>
        %dma_wait3A_25 = arith.constant 0 : i32
        %dma_wait3A_26 = arith.constant 0 : i32
        %dma_wait3A_27 = tpu.memref_slice %arg10[%dma_wait3A_25, %dma_wait3A_26] : memref<8064x128xf32, #tpu.memory_space<vmem_shared>> -> memref<8064x128xf32, #tpu.memory_space<vmem_shared>>
        tpu.wait_indirect_dma semaphore(%run_scoped3A : memref<!tpu.dma_semaphore, #tpu.memory_space<semaphore_mem>>) src(%arg9 : memref<128x128xf32, #tpu.memory_space<vmem>>) dst(%dma_wait3A_27 : memref<8064x128xf32, #tpu.memory_space<vmem_shared>>)
        tpu.yield
      }) : () -> ()
    }
    %scan3A_6 = arith.constant 32 : i32
    %barrier3A_7 = arith.constant 0 : index
    tpu.barrier barrier_id(%barrier3A_7)
    %eq3A_8 = arith.constant 0 : i32
    %eq3A_9 = arith.cmpi eq, %arg1, %eq3A_8 : i32
    %convert_element_type3A_10 = arith.extui %eq3A_9 : i1 to i32
    %cond3A_11 = arith.constant 0 : i32
    %cond3A_12 = arith.cmpi ne, %convert_element_type3A_10, %cond3A_11 : i32
    scf.if %cond3A_12 {
      "tpu.region"() ({
        %run_scoped3A = tpu.sem_alloc : memref<!tpu.dma_semaphore, #tpu.memory_space<semaphore_mem>>
        %dma_start3A = arith.constant 0 : i32
        %dma_start3A_13 = arith.constant 0 : i32
        %dma_start3A_14 = tpu.memref_slice %arg6[%arg0, %dma_start3A, %dma_start3A_13] : memref<2x8064x128xf32, #tpu.memory_space<hbm>> -> memref<1x8064x128xf32, #tpu.memory_space<hbm>>
        %dma_start3A_15 = tpu.memref_squeeze %dma_start3A_14 : memref<1x8064x128xf32, #tpu.memory_space<hbm>> -> memref<8064x128xf32, #tpu.memory_space<hbm>>
        tpu.enqueue_dma source(%arg10 : memref<8064x128xf32, #tpu.memory_space<vmem_shared>>) target(%dma_start3A_15 : memref<8064x128xf32, #tpu.memory_space<hbm>>) target_semaphore(%run_scoped3A : memref<!tpu.dma_semaphore, #tpu.memory_space<semaphore_mem>>)
        %dma_wait3A = arith.constant 0 : i32
        %dma_wait3A_16 = arith.constant 0 : i32
        %dma_wait3A_17 = tpu.memref_slice %arg6[%arg0, %dma_wait3A, %dma_wait3A_16] : memref<2x8064x128xf32, #tpu.memory_space<hbm>> -> memref<1x8064x128xf32, #tpu.memory_space<hbm>>
        %dma_wait3A_18 = tpu.memref_squeeze %dma_wait3A_17 : memref<1x8064x128xf32, #tpu.memory_space<hbm>> -> memref<8064x128xf32, #tpu.memory_space<hbm>>
        tpu.wait_dma2 semaphore(%run_scoped3A : memref<!tpu.dma_semaphore, #tpu.memory_space<semaphore_mem>>) src(%arg10 : memref<8064x128xf32, #tpu.memory_space<vmem_shared>>) dst(%dma_wait3A_18 : memref<8064x128xf32, #tpu.memory_space<hbm>>)
        tpu.yield
      }) : () -> ()
    } else {
    }
    return
  }
}

module attributes {stable_mosaic.version = 14 : i64} {
  func.func @tc_rgcn_layer0(%arg0: i32, %arg1: memref<1000x128xf32, #tpu.memory_space<vmem>>, %arg2: memref<1000x128xf32, #tpu.memory_space<vmem>>, %arg3: memref<2x1000x128xf32, #tpu.memory_space<vmem>>, %arg4: memref<2x1000x128xf32, #tpu.memory_space<vmem>>, %arg5: memref<128x128xf32, #tpu.memory_space<vmem>>, %arg6: memref<128x128xf32, #tpu.memory_space<vmem>>, %arg7: memref<128x128xf32, #tpu.memory_space<vmem>>, %arg8: memref<1000x128xf32, #tpu.memory_space<vmem>>, %arg9: memref<1000x128xf32, #tpu.memory_space<vmem>>) attributes {dimension_semantics = [#tpu.dimension_semantics<arbitrary>], iteration_bounds = array<i64: 8>, scalar_prefetch = 0 : i64, scratch_operands = 0 : i64, tpu.core_type = #tpu.core_type<tc>, window_params = [{transform_indices = @transform_0, window_bounds = array<i64: 1000, 128>}, {transform_indices = @transform_1, window_bounds = array<i64: 1000, 128>}, {transform_indices = @transform_2, window_bounds = array<i64: 2, 1000, 128>}, {transform_indices = @transform_3, window_bounds = array<i64: 2, 1000, 128>}, {pipeline_mode = #tpu.pipeline_mode<synchronous>, transform_indices = @transform_4, window_bounds = array<i64: 128, 128>}, {pipeline_mode = #tpu.pipeline_mode<synchronous>, transform_indices = @transform_5, window_bounds = array<i64: 128, 128>}, {pipeline_mode = #tpu.pipeline_mode<synchronous>, transform_indices = @transform_6, window_bounds = array<i64: 128, 128>}, {transform_indices = @transform_7, window_bounds = array<i64: 1000, 128>}, {transform_indices = @transform_8, window_bounds = array<i64: 1000, 128>}]} {
    %get3A = arith.constant 0 : index
    %get3A_0 = arith.constant 0 : index
    %get3A_1 = vector.load %arg1[%get3A, %get3A_0] : memref<1000x128xf32, #tpu.memory_space<vmem>>, vector<1000x128xf32>
    %get3A_2 = arith.constant 0 : index
    %get3A_3 = arith.constant 0 : index
    %get3A_4 = vector.load %arg5[%get3A_2, %get3A_3] : memref<128x128xf32, #tpu.memory_space<vmem>>, vector<128x128xf32>
    %dot_general3A = arith.constant dense<0.000000e+00> : vector<1000x128xf32>
    %dot_general3A_5 = tpu.matmul %get3A_1, %get3A_4, %dot_general3A {dimension_numbers = #tpu.dot_dimension_numbers<[1], [0], [0], [1], [0, 0, 1, 1], [], []>, transpose_lhs_hint = false} : vector<1000x128xf32>, vector<128x128xf32>, vector<1000x128xf32> -> vector<1000x128xf32>
    %max3A = arith.constant 0.000000e+00 : f32
    %max3A_6 = vector.broadcast %max3A : f32 to vector<1000x128xf32>
    %max3A_7 = arith.maximumf %dot_general3A_5, %max3A_6 : vector<1000x128xf32>
    %swap3A = arith.constant 0 : index
    %swap3A_8 = arith.constant 0 : index
    %swap3A_9 = vector.load %arg8[%swap3A, %swap3A_8] : memref<1000x128xf32, #tpu.memory_space<vmem>>, vector<1000x128xf32>
    tpu.vector_store %arg8[%swap3A, %swap3A_8], %max3A_7 {strides = array<i32>} : memref<1000x128xf32, #tpu.memory_space<vmem>>, vector<1000x128xf32>,
    %get3A_10 = arith.constant 0 : index
    %get3A_11 = arith.constant 0 : index
    %get3A_12 = arith.constant 0 : index
    %get3A_13 = vector.load %arg3[%get3A_10, %get3A_11, %get3A_12] : memref<2x1000x128xf32, #tpu.memory_space<vmem>>, vector<1x1000x128xf32>
    %get3A_14 = vector.shape_cast %get3A_13 : vector<1x1000x128xf32> to vector<1000x128xf32>
    %get3A_15 = arith.constant 1 : index
    %get3A_16 = arith.constant 0 : index
    %get3A_17 = arith.constant 0 : index
    %get3A_18 = vector.load %arg3[%get3A_15, %get3A_16, %get3A_17] : memref<2x1000x128xf32, #tpu.memory_space<vmem>>, vector<1x1000x128xf32>
    %get3A_19 = vector.shape_cast %get3A_18 : vector<1x1000x128xf32> to vector<1000x128xf32>
    %add3A = arith.addf %get3A_14, %get3A_19 : vector<1000x128xf32>
    %get3A_20 = arith.constant 0 : index
    %get3A_21 = arith.constant 0 : index
    %get3A_22 = arith.constant 0 : index
    %get3A_23 = vector.load %arg4[%get3A_20, %get3A_21, %get3A_22] : memref<2x1000x128xf32, #tpu.memory_space<vmem>>, vector<1x1000x1xf32>
    %get3A_24 = vector.shape_cast %get3A_23 : vector<1x1000x1xf32> to vector<1000xf32>
    %get3A_25 = arith.constant 1 : index
    %get3A_26 = arith.constant 0 : index
    %get3A_27 = arith.constant 0 : index
    %get3A_28 = vector.load %arg4[%get3A_25, %get3A_26, %get3A_27] : memref<2x1000x128xf32, #tpu.memory_space<vmem>>, vector<1x1000x1xf32>
    %get3A_29 = vector.shape_cast %get3A_28 : vector<1x1000x1xf32> to vector<1000xf32>
    %add3A_30 = arith.addf %get3A_24, %get3A_29 : vector<1000xf32>
    %max3A_31 = arith.constant 1.000000e+00 : f32
    %max3A_32 = vector.broadcast %max3A_31 : f32 to vector<1000xf32>
    %max3A_33 = arith.maximumf %add3A_30, %max3A_32 : vector<1000xf32>
    %div3A = arith.constant 1.000000e+00 : f32
    %div3A_34 = vector.broadcast %div3A : f32 to vector<1000xf32>
    %div3A_35 = arith.divf %div3A_34, %max3A_33 : vector<1000xf32>
    %broadcast_in_dim3A = vector.shape_cast %div3A_35 : vector<1000xf32> to vector<1000x1xf32>
    %mul3A = vector.broadcast %broadcast_in_dim3A : vector<1000x1xf32> to vector<1000x128xf32>
    %mul3A_36 = arith.mulf %add3A, %mul3A : vector<1000x128xf32>
    %get3A_37 = arith.constant 0 : index
    %get3A_38 = arith.constant 0 : index
    %get3A_39 = vector.load %arg2[%get3A_37, %get3A_38] : memref<1000x128xf32, #tpu.memory_space<vmem>>, vector<1000x128xf32>
    %get3A_40 = arith.constant 0 : index
    %get3A_41 = arith.constant 0 : index
    %get3A_42 = vector.load %arg6[%get3A_40, %get3A_41] : memref<128x128xf32, #tpu.memory_space<vmem>>, vector<128x128xf32>
    %dot_general3A_43 = arith.constant dense<0.000000e+00> : vector<1000x128xf32>
    %dot_general3A_44 = tpu.matmul %get3A_39, %get3A_42, %dot_general3A_43 {dimension_numbers = #tpu.dot_dimension_numbers<[1], [0], [0], [1], [0, 0, 1, 1], [], []>, transpose_lhs_hint = false} : vector<1000x128xf32>, vector<128x128xf32>, vector<1000x128xf32> -> vector<1000x128xf32>
    %get3A_45 = arith.constant 0 : index
    %get3A_46 = arith.constant 0 : index
    %get3A_47 = vector.load %arg7[%get3A_45, %get3A_46] : memref<128x128xf32, #tpu.memory_space<vmem>>, vector<128x128xf32>
    %dot_general3A_48 = arith.constant dense<0.000000e+00> : vector<1000x128xf32>
    %dot_general3A_49 = tpu.matmul %mul3A_36, %get3A_47, %dot_general3A_48 {dimension_numbers = #tpu.dot_dimension_numbers<[1], [0], [0], [1], [0, 0, 1, 1], [], []>, transpose_lhs_hint = false} : vector<1000x128xf32>, vector<128x128xf32>, vector<1000x128xf32> -> vector<1000x128xf32>
    %add3A_50 = arith.addf %dot_general3A_44, %dot_general3A_49 : vector<1000x128xf32>
    %max3A_51 = arith.constant 0.000000e+00 : f32
    %max3A_52 = vector.broadcast %max3A_51 : f32 to vector<1000x128xf32>
    %max3A_53 = arith.maximumf %add3A_50, %max3A_52 : vector<1000x128xf32>
    %swap3A_54 = arith.constant 0 : index
    %swap3A_55 = arith.constant 0 : index
    %swap3A_56 = vector.load %arg9[%swap3A_54, %swap3A_55] : memref<1000x128xf32, #tpu.memory_space<vmem>>, vector<1000x128xf32>
    tpu.vector_store %arg9[%swap3A_54, %swap3A_55], %max3A_53 {strides = array<i32>} : memref<1000x128xf32, #tpu.memory_space<vmem>>, vector<1000x128xf32>,
    return
  }
  func.func @transform_0(%arg0: i32) -> (i32, i32) {
    %c0_i32 = arith.constant 0 : i32
    %c0_i32_0 = arith.constant 0 : i32
    return %arg0, %c0_i32 : i32, i32
  }
  func.func @transform_1(%arg0: i32) -> (i32, i32) {
    %c0_i32 = arith.constant 0 : i32
    %c0_i32_0 = arith.constant 0 : i32
    return %arg0, %c0_i32 : i32, i32
  }
  func.func @transform_2(%arg0: i32) -> (i32, i32, i32) {
    %c0_i32 = arith.constant 0 : i32
    %c0_i32_0 = arith.constant 0 : i32
    %c0_i32_1 = arith.constant 0 : i32
    return %c0_i32, %arg0, %c0_i32_0 : i32, i32, i32
  }
  func.func @transform_3(%arg0: i32) -> (i32, i32, i32) {
    %c0_i32 = arith.constant 0 : i32
    %c0_i32_0 = arith.constant 0 : i32
    %c0_i32_1 = arith.constant 0 : i32
    return %c0_i32, %arg0, %c0_i32_0 : i32, i32, i32
  }
  func.func @transform_4(%arg0: i32) -> (i32, i32) {
    %c0_i32 = arith.constant 0 : i32
    %c0_i32_0 = arith.constant 0 : i32
    %c0_i32_1 = arith.constant 0 : i32
    return %c0_i32, %c0_i32_0 : i32, i32
  }
  func.func @transform_5(%arg0: i32) -> (i32, i32) {
    %c0_i32 = arith.constant 0 : i32
    %c0_i32_0 = arith.constant 0 : i32
    %c0_i32_1 = arith.constant 0 : i32
    return %c0_i32, %c0_i32_0 : i32, i32
  }
  func.func @transform_6(%arg0: i32) -> (i32, i32) {
    %c0_i32 = arith.constant 0 : i32
    %c0_i32_0 = arith.constant 0 : i32
    %c0_i32_1 = arith.constant 0 : i32
    return %c0_i32, %c0_i32_0 : i32, i32
  }
  func.func @transform_7(%arg0: i32) -> (i32, i32) {
    %c0_i32 = arith.constant 0 : i32
    %c0_i32_0 = arith.constant 0 : i32
    return %arg0, %c0_i32 : i32, i32
  }
  func.func @transform_8(%arg0: i32) -> (i32, i32) {
    %c0_i32 = arith.constant 0 : i32
    %c0_i32_0 = arith.constant 0 : i32
    return %arg0, %c0_i32 : i32, i32
  }
}

module attributes {stable_mosaic.version = 14 : i64} {
  func.func @tc_rgcn_layer1(%arg0: i32, %arg1: memref<1000x128xf32, #tpu.memory_space<vmem>>, %arg2: memref<1000x128xf32, #tpu.memory_space<vmem>>, %arg3: memref<2x1000x128xf32, #tpu.memory_space<vmem>>, %arg4: memref<2x1000x128xf32, #tpu.memory_space<vmem>>, %arg5: memref<128x64xf32, #tpu.memory_space<vmem>>, %arg6: memref<128x64xf32, #tpu.memory_space<vmem>>, %arg7: memref<128x64xf32, #tpu.memory_space<vmem>>, %arg8: memref<1x64xf32, #tpu.memory_space<vmem>>, %arg9: memref<1000x128xf32, #tpu.memory_space<vmem>>) attributes {dimension_semantics = [#tpu.dimension_semantics<arbitrary>], iteration_bounds = array<i64: 8>, scalar_prefetch = 0 : i64, scratch_operands = 0 : i64, tpu.core_type = #tpu.core_type<tc>, window_params = [{transform_indices = @transform_0, window_bounds = array<i64: 1000, 128>}, {transform_indices = @transform_1, window_bounds = array<i64: 1000, 128>}, {transform_indices = @transform_2, window_bounds = array<i64: 2, 1000, 128>}, {transform_indices = @transform_3, window_bounds = array<i64: 2, 1000, 128>}, {pipeline_mode = #tpu.pipeline_mode<synchronous>, transform_indices = @transform_4, window_bounds = array<i64: 128, 64>}, {pipeline_mode = #tpu.pipeline_mode<synchronous>, transform_indices = @transform_5, window_bounds = array<i64: 128, 64>}, {pipeline_mode = #tpu.pipeline_mode<synchronous>, transform_indices = @transform_6, window_bounds = array<i64: 128, 64>}, {pipeline_mode = #tpu.pipeline_mode<synchronous>, transform_indices = @transform_7, window_bounds = array<i64: 1, 64>}, {transform_indices = @transform_8, window_bounds = array<i64: 1000, 128>}]} {
    %get3A = arith.constant 0 : index
    %get3A_0 = arith.constant 0 : index
    %get3A_1 = vector.load %arg1[%get3A, %get3A_0] : memref<1000x128xf32, #tpu.memory_space<vmem>>, vector<1000x128xf32>
    %get3A_2 = arith.constant 0 : index
    %get3A_3 = arith.constant 0 : index
    %get3A_4 = vector.load %arg5[%get3A_2, %get3A_3] : memref<128x64xf32, #tpu.memory_space<vmem>>, vector<128x64xf32>
    %dot_general3A = arith.constant dense<0.000000e+00> : vector<1000x64xf32>
    %dot_general3A_5 = tpu.matmul %get3A_1, %get3A_4, %dot_general3A {dimension_numbers = #tpu.dot_dimension_numbers<[1], [0], [0], [1], [0, 0, 1, 1], [], []>, transpose_lhs_hint = false} : vector<1000x128xf32>, vector<128x64xf32>, vector<1000x64xf32> -> vector<1000x64xf32>
    %get3A_6 = arith.constant 0 : index
    %get3A_7 = arith.constant 0 : index
    %get3A_8 = vector.load %arg8[%get3A_6, %get3A_7] : memref<1x64xf32, #tpu.memory_space<vmem>>, vector<1x64xf32>
    %mul3A = vector.broadcast %get3A_8 : vector<1x64xf32> to vector<1000x64xf32>
    %mul3A_9 = arith.mulf %dot_general3A_5, %mul3A : vector<1000x64xf32>
    %get3A_10 = arith.constant 0 : index
    %get3A_11 = arith.constant 0 : index
    %get3A_12 = arith.constant 0 : index
    %get3A_13 = vector.load %arg3[%get3A_10, %get3A_11, %get3A_12] : memref<2x1000x128xf32, #tpu.memory_space<vmem>>, vector<1x1000x128xf32>
    %get3A_14 = vector.shape_cast %get3A_13 : vector<1x1000x128xf32> to vector<1000x128xf32>
    %get3A_15 = arith.constant 1 : index
    %get3A_16 = arith.constant 0 : index
    %get3A_17 = arith.constant 0 : index
    %get3A_18 = vector.load %arg3[%get3A_15, %get3A_16, %get3A_17] : memref<2x1000x128xf32, #tpu.memory_space<vmem>>, vector<1x1000x128xf32>
    %get3A_19 = vector.shape_cast %get3A_18 : vector<1x1000x128xf32> to vector<1000x128xf32>
    %add3A = arith.addf %get3A_14, %get3A_19 : vector<1000x128xf32>
    %get3A_20 = arith.constant 0 : index
    %get3A_21 = arith.constant 0 : index
    %get3A_22 = arith.constant 0 : index
    %get3A_23 = vector.load %arg4[%get3A_20, %get3A_21, %get3A_22] : memref<2x1000x128xf32, #tpu.memory_space<vmem>>, vector<1x1000x1xf32>
    %get3A_24 = vector.shape_cast %get3A_23 : vector<1x1000x1xf32> to vector<1000xf32>
    %get3A_25 = arith.constant 1 : index
    %get3A_26 = arith.constant 0 : index
    %get3A_27 = arith.constant 0 : index
    %get3A_28 = vector.load %arg4[%get3A_25, %get3A_26, %get3A_27] : memref<2x1000x128xf32, #tpu.memory_space<vmem>>, vector<1x1000x1xf32>
    %get3A_29 = vector.shape_cast %get3A_28 : vector<1x1000x1xf32> to vector<1000xf32>
    %add3A_30 = arith.addf %get3A_24, %get3A_29 : vector<1000xf32>
    %max3A = arith.constant 1.000000e+00 : f32
    %max3A_31 = vector.broadcast %max3A : f32 to vector<1000xf32>
    %max3A_32 = arith.maximumf %add3A_30, %max3A_31 : vector<1000xf32>
    %div3A = arith.constant 1.000000e+00 : f32
    %div3A_33 = vector.broadcast %div3A : f32 to vector<1000xf32>
    %div3A_34 = arith.divf %div3A_33, %max3A_32 : vector<1000xf32>
    %broadcast_in_dim3A = vector.shape_cast %div3A_34 : vector<1000xf32> to vector<1000x1xf32>
    %mul3A_35 = vector.broadcast %broadcast_in_dim3A : vector<1000x1xf32> to vector<1000x128xf32>
    %mul3A_36 = arith.mulf %add3A, %mul3A_35 : vector<1000x128xf32>
    %get3A_37 = arith.constant 0 : index
    %get3A_38 = arith.constant 0 : index
    %get3A_39 = vector.load %arg2[%get3A_37, %get3A_38] : memref<1000x128xf32, #tpu.memory_space<vmem>>, vector<1000x128xf32>
    %get3A_40 = arith.constant 0 : index
    %get3A_41 = arith.constant 0 : index
    %get3A_42 = vector.load %arg6[%get3A_40, %get3A_41] : memref<128x64xf32, #tpu.memory_space<vmem>>, vector<128x64xf32>
    %dot_general3A_43 = arith.constant dense<0.000000e+00> : vector<1000x64xf32>
    %dot_general3A_44 = tpu.matmul %get3A_39, %get3A_42, %dot_general3A_43 {dimension_numbers = #tpu.dot_dimension_numbers<[1], [0], [0], [1], [0, 0, 1, 1], [], []>, transpose_lhs_hint = false} : vector<1000x128xf32>, vector<128x64xf32>, vector<1000x64xf32> -> vector<1000x64xf32>
    %get3A_45 = arith.constant 0 : index
    %get3A_46 = arith.constant 0 : index
    %get3A_47 = vector.load %arg7[%get3A_45, %get3A_46] : memref<128x64xf32, #tpu.memory_space<vmem>>, vector<128x64xf32>
    %dot_general3A_48 = arith.constant dense<0.000000e+00> : vector<1000x64xf32>
    %dot_general3A_49 = tpu.matmul %mul3A_36, %get3A_47, %dot_general3A_48 {dimension_numbers = #tpu.dot_dimension_numbers<[1], [0], [0], [1], [0, 0, 1, 1], [], []>, transpose_lhs_hint = false} : vector<1000x128xf32>, vector<128x64xf32>, vector<1000x64xf32> -> vector<1000x64xf32>
    %add3A_50 = arith.addf %dot_general3A_44, %dot_general3A_49 : vector<1000x64xf32>
    %concatenate3A = tpu.concatenate %mul3A_9, %add3A_50 in 1 : vector<1000x64xf32>, vector<1000x64xf32> -> vector<1000x128xf32>
    %swap3A = arith.constant 0 : index
    %swap3A_51 = arith.constant 0 : index
    %swap3A_52 = vector.load %arg9[%swap3A, %swap3A_51] : memref<1000x128xf32, #tpu.memory_space<vmem>>, vector<1000x128xf32>
    tpu.vector_store %arg9[%swap3A, %swap3A_51], %concatenate3A {strides = array<i32>} : memref<1000x128xf32, #tpu.memory_space<vmem>>, vector<1000x128xf32>,
    return
  }
  func.func @transform_0(%arg0: i32) -> (i32, i32) {
    %c0_i32 = arith.constant 0 : i32
    %c0_i32_0 = arith.constant 0 : i32
    return %arg0, %c0_i32 : i32, i32
  }
  func.func @transform_1(%arg0: i32) -> (i32, i32) {
    %c0_i32 = arith.constant 0 : i32
    %c0_i32_0 = arith.constant 0 : i32
    return %arg0, %c0_i32 : i32, i32
  }
  func.func @transform_2(%arg0: i32) -> (i32, i32, i32) {
    %c0_i32 = arith.constant 0 : i32
    %c0_i32_0 = arith.constant 0 : i32
    %c0_i32_1 = arith.constant 0 : i32
    return %c0_i32, %arg0, %c0_i32_0 : i32, i32, i32
  }
  func.func @transform_3(%arg0: i32) -> (i32, i32, i32) {
    %c0_i32 = arith.constant 0 : i32
    %c0_i32_0 = arith.constant 0 : i32
    %c0_i32_1 = arith.constant 0 : i32
    return %c0_i32, %arg0, %c0_i32_0 : i32, i32, i32
  }
  func.func @transform_4(%arg0: i32) -> (i32, i32) {
    %c0_i32 = arith.constant 0 : i32
    %c0_i32_0 = arith.constant 0 : i32
    %c0_i32_1 = arith.constant 0 : i32
    return %c0_i32, %c0_i32_0 : i32, i32
  }
  func.func @transform_5(%arg0: i32) -> (i32, i32) {
    %c0_i32 = arith.constant 0 : i32
    %c0_i32_0 = arith.constant 0 : i32
    %c0_i32_1 = arith.constant 0 : i32
    return %c0_i32, %c0_i32_0 : i32, i32
  }
  func.func @transform_6(%arg0: i32) -> (i32, i32) {
    %c0_i32 = arith.constant 0 : i32
    %c0_i32_0 = arith.constant 0 : i32
    %c0_i32_1 = arith.constant 0 : i32
    return %c0_i32, %c0_i32_0 : i32, i32
  }
  func.func @transform_7(%arg0: i32) -> (i32, i32) {
    %c0_i32 = arith.constant 0 : i32
    %c0_i32_0 = arith.constant 0 : i32
    %c0_i32_1 = arith.constant 0 : i32
    return %c0_i32, %c0_i32_0 : i32, i32
  }
  func.func @transform_8(%arg0: i32) -> (i32, i32) {
    %c0_i32 = arith.constant 0 : i32
    %c0_i32_0 = arith.constant 0 : i32
    return %arg0, %c0_i32 : i32, i32
  }
}

module attributes {stable_mosaic.version = 14 : i64} {
  func.func @tc_distmult_decode(%arg0: i32, %arg1: memref<64x128x128xf32, #tpu.memory_space<vmem>>, %arg2: memref<64x128x128xf32, #tpu.memory_space<vmem>>, %arg3: memref<64x128xf32, #tpu.memory_space<vmem>>) attributes {dimension_semantics = [#tpu.dimension_semantics<arbitrary>], iteration_bounds = array<i64: 28>, scalar_prefetch = 0 : i64, scratch_operands = 0 : i64, tpu.core_type = #tpu.core_type<tc>, window_params = [{transform_indices = @transform_0, window_bounds = array<i64: 64, 128, 128>}, {transform_indices = @transform_1, window_bounds = array<i64: 64, 128, 128>}, {transform_indices = @transform_2, window_bounds = array<i64: 64, 128>}]} {
    %get3A = arith.constant 0 : index
    %get3A_0 = arith.constant 0 : index
    %get3A_1 = arith.constant 0 : index
    %get3A_2 = vector.load %arg1[%get3A, %get3A_0, %get3A_1] : memref<64x128x128xf32, #tpu.memory_space<vmem>>, vector<64x128x64xf32>
    %get3A_3 = arith.constant 0 : index
    %get3A_4 = arith.constant 0 : index
    %get3A_5 = arith.constant 64 : index
    %get3A_6 = vector.load %arg2[%get3A_3, %get3A_4, %get3A_5] : memref<64x128x128xf32, #tpu.memory_space<vmem>>, vector<64x128x64xf32>
    %mul3A = arith.mulf %get3A_2, %get3A_6 : vector<64x128x64xf32>
    %reduce_sum3A = arith.constant dense<0.000000e+00> : vector<64x128xf32>
    %reduce_sum3A_7 = vector.multi_reduction <add>, %mul3A, %reduce_sum3A [2] : vector<64x128x64xf32> to vector<64x128xf32>
    %swap3A = arith.constant 0 : index
    %swap3A_8 = arith.constant 0 : index
    %swap3A_9 = vector.load %arg3[%swap3A, %swap3A_8] : memref<64x128xf32, #tpu.memory_space<vmem>>, vector<64x128xf32>
    tpu.vector_store %arg3[%swap3A, %swap3A_8], %reduce_sum3A_7 {strides = array<i32>} : memref<64x128xf32, #tpu.memory_space<vmem>>, vector<64x128xf32>,
    return
  }
  func.func @transform_0(%arg0: i32) -> (i32, i32, i32) {
    %c0_i32 = arith.constant 0 : i32
    %c0_i32_0 = arith.constant 0 : i32
    %c0_i32_1 = arith.constant 0 : i32
    return %arg0, %c0_i32, %c0_i32_0 : i32, i32, i32
  }
  func.func @transform_1(%arg0: i32) -> (i32, i32, i32) {
    %c0_i32 = arith.constant 0 : i32
    %c0_i32_0 = arith.constant 0 : i32
    %c0_i32_1 = arith.constant 0 : i32
    return %arg0, %c0_i32, %c0_i32_0 : i32, i32, i32
  }
  func.func @transform_2(%arg0: i32) -> (i32, i32) {
    %c0_i32 = arith.constant 0 : i32
    %c0_i32_0 = arith.constant 0 : i32
    return %arg0, %c0_i32 : i32, i32
  }
}

</mosaic_0001>

<sc_bundles>
// kernel: sc_degrees.3.cloned.1.call-start
scs
__scs_entry_jumppad:
0x0: {  	(pc) =	sbr.rel $0x88, $3  }
0x1: {  	(tag) =	ssettag $0x0;
	lr =	simm.s32 $0x1  }
0x2: {  	[smem:$0x3F96] =	sst lr;
	_ =	strace $0xD0000000  }
0x3: {  	_ = 	snop  }
0x4: {  	_ = 	snop  }
0x5: {  	_ = 	snop  }
0x6: {  	_ = 	snop  }
0x7: {  	_ = 	snop  }
__scs_overlays_trampoline_lowered:
0x8: {  	[smem:$0x3FA5] =	sst s0  }
0x9: {  	[smem:$0x3FA6] =	sst s1  }
0xa: {  	[smem:$0x3FA7] =	sst s2  }
0xb: {  	[smem:$0x3FA8] =	sst s3  }
0xc: {  	[smem:$0x3FA9] =	sst s4  }
0xd: {  	[smem:$0x3FAA] =	sst s5  }
0xe: {  	[smem:$0x3FAB] =	sst s6  }
0xf: {  	[smem:$0x3FAC] =	sst s7  }
0x10: {  	[smem:$0x3FAD] =	sst s8  }
0x11: {  	[smem:$0x3FAE] =	sst s9;
	s0 =	simm.s32 @!p0 $0x0  }
0x12: {  	s1 =	sld [smem:$0x3F94];
	s0 =	simm.s32 @p0 $0x1  }
0x13: {  	[smem:$0x3FAF] =	sst s0;
	s0 =	simm.s32 @!p1 $0x0  }
0x14: {  	s2 =	sld [smem:$0x3F93];
	s0 =	simm.s32 @p1 $0x1  }
0x15: {  	[smem:$0x3FB0] =	sst s0;
	s0 =	simm.s32 @!p2 $0x0  }
0x16: {  	s3 =	sld [smem:$0x3FDB];
	s0 =	simm.s32 @p2 $0x1  }
0x17: {  	s4 =	simm.s32 $0x1BF5;
	[smem:$0x3FB2] =	sst s0  }
0x18: {  	s0 =	sld [smem:$0x3F95];
	_ =	swait.ge [sflag:s4], $0x0  }
0x19: {  	s7 =	sld [smem:$0x3F96]  }
0x1a: {  	s8 =	sadd.s32 $0xFFFFE003, lr  }
0x1b: {  	s9 =	sadd.s32 $0xFFFFFEF7, lr;
	s5 =	simm.s32 $0xFFFFFFFF;
	p2 =	slt.u32 s8, $0xFFFFF086  }
0x1c: {  	p1 =	slt.u32 s9, $0xF7A;
	s5 =	simm.s32 @!p2 $0x0  }
0x1d: {  	s5 =	simm.s32 @p1 $0x1;
	p0 =	seq.s32 s7, s2  }
0x1e: {  	s7 =	smul.u32 @!p0 $0xF7A, s2;
	p2 =	seq.s32 @!p0 s5, $0x0  }
0x1f: {  	s9 =	smul.u32 $0xF7A, s1;
	s8 =	simm.s32 @!p0 $0x1BF5;
	p2 =	por !p2, p0  }
0x20: {  	[sflag:s8] =	ssyncset.s32 @!p0 $0xFFFFF086;
	s6 =	sadd.s32 @!p0 s3, s7;
	s7 =	simm.s32 @!p0 $0x108  }
0x21: {  	s3 =	sadd.s32 s3, s9;
	s6 =	sadd.s32 @!p0 $0x88, s6;
	s7 =	simm.s32 @p2 $0x1082  }
0x22: {  	[simem:s7], [sflag:s8] =	dma.local @!p0 [hbm:s6], $0xF7A  }
0x23: {  	s9 =	sor.u32 $0xD0000000, s2;
	s6 =	simm.s32 $0x108;
	_ =	swait.ge @!p0 [sflag:s8], $0x0  }
0x24: {  	s3 =	sadd.s32 $0x88, s3;
	s6 =	simm.s32 @!p1 $0x1082;
	[sflag:s4] =	ssyncset.s32 $0xFFFFF086  }
0x25: {  	[simem:s6], [sflag:s4] =	dma.local [hbm:s3], $0xF7A  }
0x26: {  	[smem:$0x3F96] =	sst s1;
	(tag) =	ssettag s2;
	_ =	strace s9  }
0x27: {  	s1 =	sld [smem:$0x3FA6]  }
0x28: {  	s2 =	sld [smem:$0x3FA7]  }
0x29: {  	s4 =	sld [smem:$0x3FA9]  }
0x2a: {  	p0 =	seq.s32 s5, $0x0;
	s5 =	sld [smem:$0x3FAA]  }
0x2b: {  	s6 =	sld [smem:$0x3FAB]  }
0x2c: {  	s7 =	sld [smem:$0x3FAC]  }
0x2d: {  	s3 =	simm.s32 $0x108;
	s8 =	sld [smem:$0x3FAD]  }
0x2e: {  	s3 =	simm.s32 @!p0 $0x1082;
	s9 =	sld [smem:$0x3FAE]  }
0x2f: {  	lr =	sadd.s32 s0, s3;
	s0 =	sld [smem:$0x3FA5]  }
0x30: {  	s3 =	sld [smem:$0x3FA8]  }
0x31: {  	[smem:$0x3FB1] =	sst s10  }
0x32: {  	s10 =	sld [smem:$0x3FAF];
	_ =	sdelay $0x3  }
0x33: {  	p0 =	seq.s32 s10, $0x1;
	s10 =	sld [smem:$0x3FB1];
	_ =	sdelay $0x3  }
0x34: {  	[smem:$0x3FB1] =	sst s10  }
0x35: {  	s10 =	sld [smem:$0x3FB0];
	_ =	sdelay $0x3  }
0x36: {  	p1 =	seq.s32 s10, $0x1;
	s10 =	sld [smem:$0x3FB1];
	_ =	sdelay $0x3  }
0x37: {  	[smem:$0x3FB1] =	sst s10  }
0x38: {  	s10 =	sld [smem:$0x3FB2]  }
0x39: {  	_ = 	snop;
	(pc) =	sbr.ind lr, $3  }
0x3a: {  	_ = 	snop  }
0x3b: {  	_ = 	snop  }
0x3c: {  	p2 =	seq.s32 s10, $0x1;
	s10 =	sld [smem:$0x3FB1]  }
0x3d: {  	_ =	shalt  }
0x3e: {  	_ =	shalt  }
0x3f: {  	_ =	shalt  }
0x40: {  	_ =	shalt  }
0x41: {  	_ =	shalt  }
0x42: {  	_ =	shalt  }
0x43: {  	_ =	shalt  }
0x44: {  	_ =	shalt  }
0x45: {  	_ =	shalt  }
0x46: {  	_ =	shalt  }
0x47: {  	_ =	shalt  }
0x48: {  	_ =	shalt  }
0x49: {  	_ =	shalt  }
0x4a: {  	_ =	shalt  }
0x4b: {  	_ =	shalt  }
0x4c: {  	_ =	shalt  }
0x4d: {  	_ =	shalt  }
0x4e: {  	_ =	shalt  }
0x4f: {  	_ =	shalt  }
0x50: {  	_ =	shalt  }
0x51: {  	_ =	shalt  }
0x52: {  	_ =	shalt  }
0x53: {  	_ =	shalt  }
0x54: {  	_ =	shalt  }
0x55: {  	_ =	shalt  }
0x56: {  	_ =	shalt  }
0x57: {  	_ =	shalt  }
0x58: {  	_ =	shalt  }
0x59: {  	_ =	shalt  }
0x5a: {  	_ =	shalt  }
0x5b: {  	_ =	shalt  }
0x5c: {  	_ =	shalt  }
0x5d: {  	_ =	shalt  }
0x5e: {  	_ =	shalt  }
0x5f: {  	_ =	shalt  }
0x60: {  	_ =	shalt  }
0x61: {  	_ =	shalt  }
0x62: {  	_ =	shalt  }
0x63: {  	_ =	shalt  }
0x64: {  	_ =	shalt  }
0x65: {  	_ =	shalt  }
0x66: {  	_ =	shalt  }
0x67: {  	_ =	shalt  }
0x68: {  	_ =	shalt  }
0x69: {  	_ =	shalt  }
0x6a: {  	_ =	shalt  }
0x6b: {  	_ =	shalt  }
0x6c: {  	_ =	shalt  }
0x6d: {  	_ =	shalt  }
0x6e: {  	_ =	shalt  }
0x6f: {  	_ =	shalt  }
0x70: {  	_ =	shalt  }
0x71: {  	_ =	shalt  }
0x72: {  	_ =	shalt  }
0x73: {  	_ =	shalt  }
0x74: {  	_ =	shalt  }
0x75: {  	_ =	shalt  }
0x76: {  	_ =	shalt  }
0x77: {  	_ =	shalt  }
0x78: {  	_ =	shalt  }
0x79: {  	_ =	shalt  }
0x7a: {  	_ =	shalt  }
0x7b: {  	_ =	shalt  }
0x7c: {  	_ =	shalt  }
0x7d: {  	_ =	shalt  }
0x7e: {  	_ =	shalt  }
0x7f: {  	_ =	shalt  }
0x80: {  	_ =	shalt  }
0x81: {  	_ =	shalt  }
0x82: {  	_ =	shalt  }
0x83: {  	_ =	shalt  }
0x84: {  	_ =	shalt  }
0x85: {  	_ =	shalt  }
0x86: {  	_ =	shalt  }
0x87: {  	_ =	shalt  }
.Lfunc_end0:
.L_simem_size_0:
called_computation_lowered:
.L_overlay_start_0:
0x88: {  	s2 =	sld [smem:$0x3FD9]  }
0x89: {  	s3 =	sld [smem:$0x3FFE];
	_ =	sdelay $0x1  }
0x8a: {  	s1 =	srdreg.scid  }
0x8b: {  	s0 =	sand.u32 $0x1, s1  }
0x8c: {  	s16 =	sshll.u32 s0, $0xA;
	s2 =	sadd.s32 s3, s2  }
0x8d: {  	s2 =	sadd.s32 s2, s16  }
0x8e: {  	[smem:$0x3FBD] =	sst s2  }
0x8f: {  	_ = 	snop  }
0x90: {  	(tm) =	ssettm $0x1  }
0x91: {  	s17 =	sld [smem:$0x3FFB];
	_ =	sdelay $0x3  }
0x92: {  	_ =	strace s17  }
0x93: {  	s2 =	sld [smem:$0x3FFC];
	_ =	sdelay $0x3  }
0x94: {  	_ =	strace s2  }
0x95: {  	s2 =	sld [smem:$0x3FFD];
	_ =	sdelay $0x3  }
0x96: {  	_ =	strace s2  }
0x97: {  	_ =	strace $0x8FFFFFFF  }
0x98: {  	s18 =	sld [smem:$0x3FDB];
	_ =	sdelay $0x1  }
0x99: {  	s19 =	simm.s32 $_scs_section_size  }
0x9a: {  	s4 =	simm.s32 $_size__tile_overlayer_lowered;
	s5 =	simm.s32 $_tile_overlayer_lowered  }
0x9b: {  	s22 =	simm.s32 $0x1BFF;
	s21 =	sshll.u32 s5, $0x1;
	s2 =	sadd.s32 s19, s18  }
0x9c: {  	s6 =	simm.s32 $0x0;
	s20 =	sshll.u32 s4, $0x1;
	s4 =	sadd.s32 s21, s2  }
0x9d: {  	[timem:s6], [sflag:s22] =	dma.local [hbm:s4], s20  }
0x9e: {  	_ =	swait.ge [sflag:s22], s20  }
0x9f: {  	s3 =	ssub.s32 $0x0, s20;
	[sflag:s22] =	ssyncset.done $0x0  }
0xa0: {  	[sflag:s22] =	ssyncadd.s32 s3;
	_ =	sdelay $0x1  }
0xa1: {  	s23 =	simm.s32 $0x1B8B  }
0xa2: {  	_ =	swait.ge [sflag:s23], $0x1  }
0xa3: {  	[sflag:s23] =	ssyncset.done $0x0  }
0xa4: {  	s25 =	simm.s32 $0x1B8E;
	s24 =	sld [smem:$0x3FFE];
	[sflag:s23] =	ssyncadd.s32 $0xFFFFFFFF  }
0xa5: {  	s26 =	simm.s32 $execute0_lowered;
	[smem:$0x3FD2] =	sst s25  }
0xa6: {  	s4 =	sshll.u32 s26, $0x1;
	_ =	strace $0x80000046;
	[dreg:$0x1] =	wrdreg $0xFFFFFFFF  }
0xa7: {  	s28 =	simm.s32 $_size_execute0_lowered;
	s2 =	sadd.s32 s2, s4;
	[dreg:$0x0] =	wrdreg $0x0  }
0xa8: {  	s4 =	sshll.u32 s28, $0x1;
	[dreg:$0x2] =	wrdreg s2  }
0xa9: {  	[dreg:$0x3] =	wrdreg s4  }
0xaa: {  	[dreg:$0x4] =	wrdreg $0xC0  }
0xab: {  	_ =	task [dreg:s6], $0x5FFFF  }
0xac: {  	[dreg:$0x1] =	wrdreg $0xFFFFFFFF  }
0xad: {  	[dreg:$0x0] =	wrdreg $0x60  }
0xae: {  	[dreg:$0x2] =	wrdreg s24  }
0xaf: {  	[dreg:$0x3] =	wrdreg $0x50000  }
0xb0: {  	[dreg:$0x4] =	wrdreg $0x9  }
0xb1: {  	_ =	task.clear_ibuf [dreg:s6], $0x5FFFF;
	_ =	strace $0x90000046  }
0xb2: {  	s29 =	simm.s32 $0x9;
	_ =	strace $0x80000048  }
0xb3: {  	_ =	swait.ge [sflag:s29], $0x1  }
0xb4: {  	[sflag:s29] =	ssyncadd.s32 $0xFFFFFFFF  }
0xb5: {  	_ =	strace $0x90000048  }
0xb6: {  	_ =	sfence  }
0xb7: {  	s30 =	sld [smem:$0x0];
	_ =	sdelay $0x2  }
0xb8: {  	s31 =	sshll.u32 s1, $0xD;
	s1 =	sshrl.u32 s1, $0x2  }
0xb9: {  	s3 =	sand.u32 $0x4000, s31;
	s1 =	sadd.s32 s1, s30  }
0xba: {  	s0 =	sor.u32 s3, s0;
	s1 =	sshll.u32 s1, $0x11  }
0xbb: {  	s0 =	sor.u32 s1, s0  }
0xbc: {  	s0 =	sadd.s32 $0x8F2B, s0  }
0xbd: {  	[sflag:s0] =	ssyncadd.remote.s32 $0x1  }
0xbe: {  	_ =	sfence.sel $0xFFFF  }
0xbf: {  	[dreg:$0x0] =	wrdreg $0xFFFFFFFF;
	(pc) =	sbr.abs _section_cstart, $3  }
0xc0: {  	[dreg:$0x1] =	wrdreg $0xFFFFFFFF  }
0xc1: {  	_ =	task.clear_ibuf [dreg:s6], $0x2FFFF;
	_ =	strace $0x9FFFFFFF  }
0xc2: {  	(tm) =	ssettm $0x7FFFFFFF  }
0xc3: {  	_ =	shalt  }
tec
execute0_lowered:
.L_overlay_start_1:
0x0: {  	(tag) =	ssettag $0x1  }
0x1: {  	s5 =	rddreg [dreg:$0x0]  }
0x2: {  	s1 =	rddreg [dreg:$0x1]  }
0x3: {  	s0 =	rddreg [dreg:$0x2];
	s2 =	simm.s32 $0x0;
	s7 =	stileid.u32  }
0x4: {  	s4 =	srdreg.scid;
	s12 =	simm.s32 $0x0;
	[smem:$0x7FF] =	sst s2  }
0x5: {  	s3 =	sshll.u32 s7, $0x9;
	s8 =	sand.u32 $0x1, s4;
	s4 =	sadd.s32 $0x6000, s5  }
0x6: {  	p0 =	sne.s32 s7, $0x0;
	_ =	strace $0x80000047;
	s6 =	sadd.s32 s3, s5  }
0x7: {  	s9 =	smul.u32 $0x1F800, s8;
	s10 =	ssub.s32 $0x2, s8;
	s8 =	sshll.u32 s8, $0xD  }
0x8: {  	s3 =	sadd.s32 $0x6800, s5;
	s11 =	sshrl.u32 s10, $0x1;
	s31 =	sadd.s32 s8, s6  }
0x9: {  	s8 =	sshrl.u32 @!p0 s1, $0x3;
	s9 =	sadd.s32 s9, s5;
	s10 =	ssub.s32 s10, s11  }
0xa: {  	s5 =	sadd.s32 $0x2000, s31;
	s11 =	simm.s32 $0x80;
	s6 =	sadd.s32 $0x26000, s9  }
0xb: {  	s7 =	smax.u32 s10, $0x1;
	s9 =	simm.s32 $0x1;
	s10 =	simm.s32 $0x1000  }
.LBB2_1:
0xc: {  	s13 =	simm.s32 @!p0 $0x1C01  }
0xd: {  	[spmem:s8], [sflag:s13] =	dma.local @!p0 [hbm:s3], $0x1F800  }
0xe: {  	s13 =	simm.s32 @!p0 $0x1  }
0xf: {  	_ =	swait.ge @!p0 [sflag:s13], $0x1F800  }
0x10: {  	[sflag:s13] =	ssyncset.done @!p0 $0x0  }
0x11: {  	[sflag:s13] =	ssyncadd.s32 @!p0 $0xFFFE0800  }
0x12: {  	[tilespmem:s2], [sflag:$0x1] =	stream.linear.gather [hbm4b:s5+s2], $0x1000, $0x38;
	[tilespmem:$0x14C00] =	vst v63  }
0x13: {  	_ =	swait.ge [sflag:s9], $0x1000  }
0x14: {  	[sflag:s9] =	ssyncset.done $0x0  }
0x15: {  	[sflag:s9] =	ssyncadd.s32 $0xFFFFF000  }
0x16: {  	[tilespmem:s10], [sflag:$0x1] =	stream.linear.gather [hbm4b:s4+s2], $0x4000, $0x38;
	[tilespmem:$0x14C00] =	vst v63  }
0x17: {  	_ =	swait.ge [sflag:s9], $0x4000  }
0x18: {  	[sflag:s9] =	ssyncset.done $0x0  }
0x19: {  	[sflag:s9] =	ssyncadd.s32 $0xFFFFC000  }
0x1a: {  	s31 =	simm.s32 $0x0;
	[bflag:$0x0] =	sbarrier.arrive $0xFFFF  }
0x1b: {  	[spmem:s1] =	stream.indirect.scatter.add.f32 [tilespmem:s10], [sflag:$0x1], $0x80, s31, s11, $0xb8;
	[tilespmem:$0x14C00] =	vst v63  }
0x1c: {  	_ =	swait.ge [sflag:s9], $0x4000  }
0x1d: {  	s13 =	simm.s32 $0x200;
	[sflag:s9] =	ssyncset.done $0x0  }
.LBB2_2:
0x1e: {  	s14 =	sshra.s32 s13, $0x2;
	[sflag:s9] =	ssyncadd.s32 $0xFFFFC000;
	p1 =	sne.s32 s13, $0x3E00  }
0x1f: {  	[spmem:s1] =	stream.indirect.scatter.add.f32 [tilespmem:s10], [sflag:$0x1], $0x80, s14, s11, $0xb8;
	[tilespmem:$0x14C00] =	vst v63  }
.Ltmp0:
0x20: {  	_ = 	snop;
	(pc) =	sbr.rel @p1 .LBB2_2-.Ltmp0, $4  }
0x21: {  	_ = 	snop  }
0x22: {  	s13 =	sadd.s32 $0x200, s13  }
0x23: {  	_ =	swait.ge [sflag:s9], $0x4000  }
0x24: {  	[sflag:s9] =	ssyncset.done $0x0  }
0x25: {  	[sflag:s9] =	ssyncadd.s32 $0xFFFFC000;
	s12 =	sadd.s32 $0x1, s12  }
0x26: {  	s13 =	simm.s32 @!p0 $0x1C01;
	[bflag:$0x0] =	sbarrier.arrive $0xFFFF;
	p1 =	sne.s32 s12, s7  }
0x27: {  	[hbm:s6], [sflag:s13] =	dma.local @!p0 [spmem:s8], $0x1F800  }
.Ltmp1:
0x28: {  	_ = 	snop;
	(pc) =	sbr.rel @p1 .LBB2_1-.Ltmp1, $4  }
0x29: {  	s13 =	simm.s32 @!p0 $0x1  }
0x2a: {  	_ =	swait.ge @!p0 [sflag:s13], $0x1F800  }
0x2b: {  	[sflag:s13] =	ssyncset.done @!p0 $0x0  }
0x2c: {  	[sflag:s13] =	ssyncadd.s32 @!p0 $0xFFFE0800  }
0x2d: {  	_ =	sfence.sel $0x180000  }
0x2e: {  	[bflag:$0x0] =	sbarrier.arrive $0xFFFF  }
0x2f: {  	_ =	strace $0x90000047  }
0x30: {  	s0 =	sadd.s32 @!p0 $0x100000, s0;
	[bflag:$0x2] =	sbarrier.arrive $0xFFFF  }
0x31: {  	[sflag:s0] =	ssyncadd.tile.s32 @!p0 $0x1;
	_ =	shalt  }
.Lfunc_end2:
_tile_overlayer_lowered:
.L_overlay_start_2:
0x32: {  	(tag) =	ssettag $0x2  }
0x33: {  	s0 =	rddreg [dreg:$0x0];
	s2 =	stileid.u32  }
0x34: {  	s1 =	rddreg [dreg:$0x1];
	p0 =	sne.s32 s2, $0x0  }
0x35: {  	s3 =	rddreg [dreg:$0x2];
	[bflag:$0x3] =	sbarrier.arrive $0xFFFF;
	s2 =	simm.s32 @!p0 $0x1C01  }
0x36: {  	[timem:s3], [sflag:s2] =	dma.local @!p0 [hbm:s0], s1  }
0x37: {  	s0 =	simm.s32 @!p0 $0x1  }
0x38: {  	_ =	swait.ge @!p0 [sflag:s0], s1  }
0x39: {  	s1 =	ssub.s32 @!p0 $0x0, s1;
	[sflag:s0] =	ssyncset.done @!p0 $0x0  }
0x3a: {  	[sflag:s0] =	ssyncadd.s32 @!p0 s1  }
0x3b: {  	[bflag:$0x3] =	sbarrier.arrive $0xFFFF  }
0x3c: {  	_ =	shalt  }

// kernel: sc_gather_pairs.3.cloned.1.call-start
scs
__scs_entry_jumppad:
0x0: {  	(pc) =	sbr.rel $0x88, $3  }
0x1: {  	(tag) =	ssettag $0x0;
	lr =	simm.s32 $0x1  }
0x2: {  	[smem:$0x3F96] =	sst lr;
	_ =	strace $0xD0000000  }
0x3: {  	_ = 	snop  }
0x4: {  	_ = 	snop  }
0x5: {  	_ = 	snop  }
0x6: {  	_ = 	snop  }
0x7: {  	_ = 	snop  }
__scs_overlays_trampoline_lowered:
0x8: {  	[smem:$0x3FA5] =	sst s0  }
0x9: {  	[smem:$0x3FA6] =	sst s1  }
0xa: {  	[smem:$0x3FA7] =	sst s2  }
0xb: {  	[smem:$0x3FA8] =	sst s3  }
0xc: {  	[smem:$0x3FA9] =	sst s4  }
0xd: {  	[smem:$0x3FAA] =	sst s5  }
0xe: {  	[smem:$0x3FAB] =	sst s6  }
0xf: {  	[smem:$0x3FAC] =	sst s7  }
0x10: {  	[smem:$0x3FAD] =	sst s8  }
0x11: {  	[smem:$0x3FAE] =	sst s9;
	s0 =	simm.s32 @!p0 $0x0  }
0x12: {  	s1 =	sld [smem:$0x3F94];
	s0 =	simm.s32 @p0 $0x1  }
0x13: {  	[smem:$0x3FAF] =	sst s0;
	s0 =	simm.s32 @!p1 $0x0  }
0x14: {  	s2 =	sld [smem:$0x3F93];
	s0 =	simm.s32 @p1 $0x1  }
0x15: {  	[smem:$0x3FB0] =	sst s0;
	s0 =	simm.s32 @!p2 $0x0  }
0x16: {  	s3 =	sld [smem:$0x3FDB];
	s0 =	simm.s32 @p2 $0x1  }
0x17: {  	s4 =	simm.s32 $0x1BF5;
	[smem:$0x3FB2] =	sst s0  }
0x18: {  	s0 =	sld [smem:$0x3F95];
	_ =	swait.ge [sflag:s4], $0x0  }
0x19: {  	s7 =	sld [smem:$0x3F96]  }
0x1a: {  	s8 =	sadd.s32 $0xFFFFE003, lr  }
0x1b: {  	s9 =	sadd.s32 $0xFFFFFEF7, lr;
	s5 =	simm.s32 $0xFFFFFFFF;
	p2 =	slt.u32 s8, $0xFFFFF086  }
0x1c: {  	p1 =	slt.u32 s9, $0xF7A;
	s5 =	simm.s32 @!p2 $0x0  }
0x1d: {  	s5 =	simm.s32 @p1 $0x1;
	p0 =	seq.s32 s7, s2  }
0x1e: {  	s7 =	smul.u32 @!p0 $0xF7A, s2;
	p2 =	seq.s32 @!p0 s5, $0x0  }
0x1f: {  	s9 =	smul.u32 $0xF7A, s1;
	s8 =	simm.s32 @!p0 $0x1BF5;
	p2 =	por !p2, p0  }
0x20: {  	[sflag:s8] =	ssyncset.s32 @!p0 $0xFFFFF086;
	s6 =	sadd.s32 @!p0 s3, s7;
	s7 =	simm.s32 @!p0 $0x108  }
0x21: {  	s3 =	sadd.s32 s3, s9;
	s6 =	sadd.s32 @!p0 $0x88, s6;
	s7 =	simm.s32 @p2 $0x1082  }
0x22: {  	[simem:s7], [sflag:s8] =	dma.local @!p0 [hbm:s6], $0xF7A  }
0x23: {  	s9 =	sor.u32 $0xD0000000, s2;
	s6 =	simm.s32 $0x108;
	_ =	swait.ge @!p0 [sflag:s8], $0x0  }
0x24: {  	s3 =	sadd.s32 $0x88, s3;
	s6 =	simm.s32 @!p1 $0x1082;
	[sflag:s4] =	ssyncset.s32 $0xFFFFF086  }
0x25: {  	[simem:s6], [sflag:s4] =	dma.local [hbm:s3], $0xF7A  }
0x26: {  	[smem:$0x3F96] =	sst s1;
	(tag) =	ssettag s2;
	_ =	strace s9  }
0x27: {  	s1 =	sld [smem:$0x3FA6]  }
0x28: {  	s2 =	sld [smem:$0x3FA7]  }
0x29: {  	s4 =	sld [smem:$0x3FA9]  }
0x2a: {  	p0 =	seq.s32 s5, $0x0;
	s5 =	sld [smem:$0x3FAA]  }
0x2b: {  	s6 =	sld [smem:$0x3FAB]  }
0x2c: {  	s7 =	sld [smem:$0x3FAC]  }
0x2d: {  	s3 =	simm.s32 $0x108;
	s8 =	sld [smem:$0x3FAD]  }
0x2e: {  	s3 =	simm.s32 @!p0 $0x1082;
	s9 =	sld [smem:$0x3FAE]  }
0x2f: {  	lr =	sadd.s32 s0, s3;
	s0 =	sld [smem:$0x3FA5]  }
0x30: {  	s3 =	sld [smem:$0x3FA8]  }
0x31: {  	[smem:$0x3FB1] =	sst s10  }
0x32: {  	s10 =	sld [smem:$0x3FAF];
	_ =	sdelay $0x3  }
0x33: {  	p0 =	seq.s32 s10, $0x1;
	s10 =	sld [smem:$0x3FB1];
	_ =	sdelay $0x3  }
0x34: {  	[smem:$0x3FB1] =	sst s10  }
0x35: {  	s10 =	sld [smem:$0x3FB0];
	_ =	sdelay $0x3  }
0x36: {  	p1 =	seq.s32 s10, $0x1;
	s10 =	sld [smem:$0x3FB1];
	_ =	sdelay $0x3  }
0x37: {  	[smem:$0x3FB1] =	sst s10  }
0x38: {  	s10 =	sld [smem:$0x3FB2]  }
0x39: {  	_ = 	snop;
	(pc) =	sbr.ind lr, $3  }
0x3a: {  	_ = 	snop  }
0x3b: {  	_ = 	snop  }
0x3c: {  	p2 =	seq.s32 s10, $0x1;
	s10 =	sld [smem:$0x3FB1]  }
0x3d: {  	_ =	shalt  }
0x3e: {  	_ =	shalt  }
0x3f: {  	_ =	shalt  }
0x40: {  	_ =	shalt  }
0x41: {  	_ =	shalt  }
0x42: {  	_ =	shalt  }
0x43: {  	_ =	shalt  }
0x44: {  	_ =	shalt  }
0x45: {  	_ =	shalt  }
0x46: {  	_ =	shalt  }
0x47: {  	_ =	shalt  }
0x48: {  	_ =	shalt  }
0x49: {  	_ =	shalt  }
0x4a: {  	_ =	shalt  }
0x4b: {  	_ =	shalt  }
0x4c: {  	_ =	shalt  }
0x4d: {  	_ =	shalt  }
0x4e: {  	_ =	shalt  }
0x4f: {  	_ =	shalt  }
0x50: {  	_ =	shalt  }
0x51: {  	_ =	shalt  }
0x52: {  	_ =	shalt  }
0x53: {  	_ =	shalt  }
0x54: {  	_ =	shalt  }
0x55: {  	_ =	shalt  }
0x56: {  	_ =	shalt  }
0x57: {  	_ =	shalt  }
0x58: {  	_ =	shalt  }
0x59: {  	_ =	shalt  }
0x5a: {  	_ =	shalt  }
0x5b: {  	_ =	shalt  }
0x5c: {  	_ =	shalt  }
0x5d: {  	_ =	shalt  }
0x5e: {  	_ =	shalt  }
0x5f: {  	_ =	shalt  }
0x60: {  	_ =	shalt  }
0x61: {  	_ =	shalt  }
0x62: {  	_ =	shalt  }
0x63: {  	_ =	shalt  }
0x64: {  	_ =	shalt  }
0x65: {  	_ =	shalt  }
0x66: {  	_ =	shalt  }
0x67: {  	_ =	shalt  }
0x68: {  	_ =	shalt  }
0x69: {  	_ =	shalt  }
0x6a: {  	_ =	shalt  }
0x6b: {  	_ =	shalt  }
0x6c: {  	_ =	shalt  }
0x6d: {  	_ =	shalt  }
0x6e: {  	_ =	shalt  }
0x6f: {  	_ =	shalt  }
0x70: {  	_ =	shalt  }
0x71: {  	_ =	shalt  }
0x72: {  	_ =	shalt  }
0x73: {  	_ =	shalt  }
0x74: {  	_ =	shalt  }
0x75: {  	_ =	shalt  }
0x76: {  	_ =	shalt  }
0x77: {  	_ =	shalt  }
0x78: {  	_ =	shalt  }
0x79: {  	_ =	shalt  }
0x7a: {  	_ =	shalt  }
0x7b: {  	_ =	shalt  }
0x7c: {  	_ =	shalt  }
0x7d: {  	_ =	shalt  }
0x7e: {  	_ =	shalt  }
0x7f: {  	_ =	shalt  }
0x80: {  	_ =	shalt  }
0x81: {  	_ =	shalt  }
0x82: {  	_ =	shalt  }
0x83: {  	_ =	shalt  }
0x84: {  	_ =	shalt  }
0x85: {  	_ =	shalt  }
0x86: {  	_ =	shalt  }
0x87: {  	_ =	shalt  }
.Lfunc_end0:
.L_simem_size_0:
called_computation.3_lowered:
.L_overlay_start_0:
0x88: {  	s2 =	sld [smem:$0x3FD9]  }
0x89: {  	s3 =	sld [smem:$0x3FFE];
	_ =	sdelay $0x1  }
0x8a: {  	s1 =	srdreg.scid  }
0x8b: {  	s0 =	sand.u32 $0x1, s1  }
0x8c: {  	s16 =	sshll.u32 s0, $0xA;
	s2 =	sadd.s32 s3, s2  }
0x8d: {  	s2 =	sadd.s32 s2, s16  }
0x8e: {  	[smem:$0x3FBD] =	sst s2  }
0x8f: {  	_ = 	snop  }
0x90: {  	(tm) =	ssettm $0x1  }
0x91: {  	s17 =	sld [smem:$0x3FFB];
	_ =	sdelay $0x3  }
0x92: {  	_ =	strace s17  }
0x93: {  	s2 =	sld [smem:$0x3FFC];
	_ =	sdelay $0x3  }
0x94: {  	_ =	strace s2  }
0x95: {  	s2 =	sld [smem:$0x3FFD];
	_ =	sdelay $0x3  }
0x96: {  	_ =	strace s2  }
0x97: {  	_ =	strace $0x8FFFFFFF  }
0x98: {  	s18 =	sld [smem:$0x3FDB];
	_ =	sdelay $0x1  }
0x99: {  	s19 =	simm.s32 $_scs_section_size  }
0x9a: {  	s4 =	simm.s32 $_size__tile_overlayer_lowered;
	s5 =	simm.s32 $_tile_overlayer_lowered  }
0x9b: {  	s22 =	simm.s32 $0x1BFF;
	s21 =	sshll.u32 s5, $0x1;
	s2 =	sadd.s32 s19, s18  }
0x9c: {  	s6 =	simm.s32 $0x0;
	s20 =	sshll.u32 s4, $0x1;
	s4 =	sadd.s32 s21, s2  }
0x9d: {  	[timem:s6], [sflag:s22] =	dma.local [hbm:s4], s20  }
0x9e: {  	_ =	swait.ge [sflag:s22], s20  }
0x9f: {  	s3 =	ssub.s32 $0x0, s20;
	[sflag:s22] =	ssyncset.done $0x0  }
0xa0: {  	[sflag:s22] =	ssyncadd.s32 s3;
	_ =	sdelay $0x1  }
0xa1: {  	s23 =	simm.s32 $0x1B8B  }
0xa2: {  	_ =	swait.ge [sflag:s23], $0x1  }
0xa3: {  	[sflag:s23] =	ssyncset.done $0x0  }
0xa4: {  	s25 =	simm.s32 $0x1B8E;
	s24 =	sld [smem:$0x3FFE];
	[sflag:s23] =	ssyncadd.s32 $0xFFFFFFFF  }
0xa5: {  	s26 =	simm.s32 $execute0_lowered;
	[smem:$0x3FD2] =	sst s25  }
0xa6: {  	s4 =	sshll.u32 s26, $0x1;
	_ =	strace $0x8000004F;
	[dreg:$0x1] =	wrdreg $0xFFFFFFFF  }
0xa7: {  	s28 =	simm.s32 $_size_execute0_lowered;
	s2 =	sadd.s32 s2, s4;
	[dreg:$0x0] =	wrdreg $0x0  }
0xa8: {  	s4 =	sshll.u32 s28, $0x1;
	[dreg:$0x2] =	wrdreg s2  }
0xa9: {  	[dreg:$0x3] =	wrdreg s4  }
0xaa: {  	[dreg:$0x4] =	wrdreg $0xC0  }
0xab: {  	_ =	task [dreg:s6], $0x5FFFF  }
0xac: {  	[dreg:$0x1] =	wrdreg $0xFFFFFFFF  }
0xad: {  	[dreg:$0x0] =	wrdreg $0x60  }
0xae: {  	[dreg:$0x2] =	wrdreg s24  }
0xaf: {  	[dreg:$0x3] =	wrdreg $0x9  }
0xb0: {  	_ =	task.clear_ibuf [dreg:s6], $0x4FFFF;
	_ =	strace $0x9000004F  }
0xb1: {  	s29 =	simm.s32 $0x9;
	_ =	strace $0x80000051  }
0xb2: {  	_ =	swait.ge [sflag:s29], $0x1  }
0xb3: {  	[sflag:s29] =	ssyncadd.s32 $0xFFFFFFFF  }
0xb4: {  	_ =	strace $0x90000051  }
0xb5: {  	_ =	sfence  }
0xb6: {  	s30 =	sld [smem:$0x0];
	_ =	sdelay $0x2  }
0xb7: {  	s31 =	sshll.u32 s1, $0xD;
	s1 =	sshrl.u32 s1, $0x2  }
0xb8: {  	s3 =	sand.u32 $0x4000, s31;
	s1 =	sadd.s32 s1, s30  }
0xb9: {  	s0 =	sor.u32 s3, s0;
	s1 =	sshll.u32 s1, $0x11  }
0xba: {  	s0 =	sor.u32 s1, s0  }
0xbb: {  	s0 =	sadd.s32 $0x8F2B, s0  }
0xbc: {  	[sflag:s0] =	ssyncadd.remote.s32 $0x1  }
0xbd: {  	_ =	sfence.sel $0xFFFF  }
0xbe: {  	[dreg:$0x0] =	wrdreg $0xFFFFFFFF;
	(pc) =	sbr.abs _section_cstart, $3  }
0xbf: {  	[dreg:$0x1] =	wrdreg $0xFFFFFFFF  }
0xc0: {  	_ =	task.clear_ibuf [dreg:s6], $0x2FFFF;
	_ =	strace $0x9FFFFFFF  }
0xc1: {  	(tm) =	ssettm $0x7FFFFFFF  }
tec
execute0_lowered:
.L_overlay_start_1:
0x0: {  	(tag) =	ssettag $0x1  }
0x1: {  	s0 =	srdreg.scid  }
0x2: {  	s4 =	rddreg [dreg:$0x0];
	s1 =	stileid.u32;
	s2 =	simm.s32 $0x0  }
0x3: {  	s10 =	simm.s32 $0x1C00;
	s11 =	simm.s32 $0x80;
	s12 =	simm.s32 $0x3800  }
0x4: {  	s13 =	simm.s32 $0x7800;
	s3 =	sand.u32 $0x1, s0;
	s0 =	rddreg [dreg:$0x1]  }
0x5: {  	s14 =	simm.s32 $0x0;
	[smem:$0x7FF] =	sst s2;
	s9 =	smul.u32 $0x1C000, s1  }
0x6: {  	s5 =	sshll.u32 s3, $0x4;
	s6 =	smul.u32 $0x1C0000, s3;
	s7 =	ssub.s32 $0x2, s3  }
0x7: {  	_ =	strace $0x80000050;
	s5 =	sor.u32 s1, s5;
	s8 =	sshrl.u32 s7, $0x1  }
0x8: {  	s5 =	smul.u32 $0x380, s5;
	s6 =	sadd.s32 s6, s4;
	s7 =	ssub.s32 s7, s8  }
0x9: {  	s3 =	sadd.s32 $0x2000, s4;
	s31 =	sadd.s32 s9, s6;
	s6 =	smax.u32 s7, $0x1  }
0xa: {  	s9 =	simm.s32 $0x1;
	s5 =	sadd.s32 s5, s4;
	s7 =	sadd.s32 $0x451400, s31  }
0xb: {  	s8 =	sadd.s32 $0xD1400, s31;
	s4 =	sadd.s32 $0xCA400, s5;
	s5 =	sadd.s32 $0xC3400, s5  }
.LBB2_1:
0xc: {  	[tilespmem:s2], [sflag:$0x1] =	stream.linear.gather [hbm4b:s4+s2], $0x1C00, $0x38;
	[tilespmem:$0xB800] =	vst v63  }
0xd: {  	_ =	swait.ge [sflag:s9], $0x1C00  }
0xe: {  	[sflag:s9] =	ssyncset.done $0x0  }
0xf: {  	[sflag:s9] =	ssyncadd.s32 $0xFFFFE400  }
0x10: {  	[tilespmem:s10], [sflag:$0x1] =	stream.linear.gather [hbm4b:s5+s2], $0x1C00, $0x38;
	[tilespmem:$0xB800] =	vst v63  }
0x11: {  	_ =	swait.ge [sflag:s9], $0x1C00  }
0x12: {  	[sflag:s9] =	ssyncset.done $0x0  }
0x13: {  	s15 =	simm.s32 $0x0;
	[sflag:s9] =	ssyncadd.s32 $0xFFFFE400  }
0x14: {  	[tilespmem:s12], [sflag:$0x1] =	stream.indirect.gather [hbm4b:s3+s11], $0x80, s15, s11, $0xb8;
	[tilespmem:$0xB800] =	vst v63  }
0x15: {  	_ =	swait.ge [sflag:s9], $0x4000  }
0x16: {  	[sflag:s9] =	ssyncset.done $0x0  }
0x17: {  	s31 =	simm.s32 $0x1C00;
	[sflag:s9] =	ssyncadd.s32 $0xFFFFC000  }
0x18: {  	[tilespmem:s13], [sflag:$0x1] =	stream.indirect.gather [hbm4b:s3+s11], $0x80, s31, s11, $0xb8;
	[tilespmem:$0xB800] =	vst v63  }
0x19: {  	_ =	swait.ge [sflag:s9], $0x4000  }
0x1a: {  	[sflag:s9] =	ssyncset.done $0x0  }
0x1b: {  	[sflag:s9] =	ssyncadd.s32 $0xFFFFC000  }
0x1c: {  	[hbm4b:s8+s2] =	stream.linear.scatter [tilespmem:s12], [sflag:$0x1], $0x4000, $0x38;
	[tilespmem:$0xB800] =	vst v63  }
0x1d: {  	_ =	swait.ge [sflag:s9], $0x4000  }
0x1e: {  	[sflag:s9] =	ssyncset.done $0x0  }
0x1f: {  	[sflag:s9] =	ssyncadd.s32 $0xFFFFC000  }
0x20: {  	[hbm4b:s7+s2] =	stream.linear.scatter [tilespmem:s13], [sflag:$0x1], $0x4000, $0x38;
	[tilespmem:$0xB800] =	vst v63  }
0x21: {  	s17 =	simm.s32 $0x200;
	s18 =	simm.s32 $0x400;
	_ =	swait.ge [sflag:s9], $0x4000  }
0x22: {  	s16 =	sadd.s32 $0x800, s8;
	s15 =	sadd.s32 $0x800, s7;
	[sflag:s9] =	ssyncset.done $0x0  }
.LBB2_2:
0x23: {  	s19 =	sshra.s32 s17, $0x2  }
0x24: {  	[sflag:s9] =	ssyncadd.s32 $0xFFFFC000;
	s17 =	smov.u32 s18;
	s20 =	sadd.s32 $0x200, s18  }
0x25: {  	[tilespmem:s12], [sflag:$0x1] =	stream.indirect.gather [hbm4b:s3+s11], $0x80, s19, s11, $0xb8;
	[tilespmem:$0xB800] =	vst v63  }
0x26: {  	p0 =	sne.s32 s18, $0x6E00;
	_ =	swait.ge [sflag:s9], $0x4000  }
0x27: {  	[sflag:s9] =	ssyncset.done $0x0  }
0x28: {  	s18 =	sadd.s32 $0x1C00, s19;
	[sflag:s9] =	ssyncadd.s32 $0xFFFFC000  }
0x29: {  	[tilespmem:s13], [sflag:$0x1] =	stream.indirect.gather [hbm4b:s3+s11], $0x80, s18, s11, $0xb8;
	[tilespmem:$0xB800] =	vst v63  }
0x2a: {  	_ =	swait.ge [sflag:s9], $0x4000  }
0x2b: {  	[sflag:s9] =	ssyncset.done $0x0  }
0x2c: {  	[sflag:s9] =	ssyncadd.s32 $0xFFFFC000  }
0x2d: {  	[hbm4b:s16+s2] =	stream.linear.scatter [tilespmem:s12], [sflag:$0x1], $0x4000, $0x38;
	[tilespmem:$0xB800] =	vst v63  }
0x2e: {  	_ =	swait.ge [sflag:s9], $0x4000  }
.Ltmp0:
0x2f: {  	[sflag:s9] =	ssyncset.done $0x0;
	(pc) =	sbr.rel @p0 .LBB2_2-.Ltmp0, $4  }
0x30: {  	[sflag:s9] =	ssyncadd.s32 $0xFFFFC000  }
0x31: {  	[hbm4b:s15+s2] =	stream.linear.scatter [tilespmem:s13], [sflag:$0x1], $0x4000, $0x38;
	[tilespmem:$0xB800] =	vst v63  }
0x32: {  	s18 =	smov.u32 s20;
	_ =	swait.ge [sflag:s9], $0x4000  }
0x33: {  	s16 =	sadd.s32 $0x800, s16;
	s15 =	sadd.s32 $0x800, s15;
	[sflag:s9] =	ssyncset.done $0x0  }
0x34: {  	s17 =	sshra.s32 s17, $0x2;
	[sflag:s9] =	ssyncadd.s32 $0xFFFFC000  }
0x35: {  	[tilespmem:s12], [sflag:$0x1] =	stream.indirect.gather [hbm4b:s3+s11], $0x80, s17, s11, $0xb8;
	[tilespmem:$0xB800] =	vst v63  }
0x36: {  	_ =	swait.ge [sflag:s9], $0x4000  }
0x37: {  	[sflag:s9] =	ssyncset.done $0x0  }
0x38: {  	s17 =	sadd.s32 $0x1C00, s17;
	[sflag:s9] =	ssyncadd.s32 $0xFFFFC000  }
0x39: {  	[tilespmem:s13], [sflag:$0x1] =	stream.indirect.gather [hbm4b:s3+s11], $0x80, s17, s11, $0xb8;
	[tilespmem:$0xB800] =	vst v63  }
0x3a: {  	_ =	swait.ge [sflag:s9], $0x4000  }
0x3b: {  	[sflag:s9] =	ssyncset.done $0x0  }
0x3c: {  	[sflag:s9] =	ssyncadd.s32 $0xFFFFC000  }
0x3d: {  	[hbm4b:s16+s2] =	stream.linear.scatter [tilespmem:s12], [sflag:$0x1], $0x4000, $0x38;
	[tilespmem:$0xB800] =	vst v63  }
0x3e: {  	s14 =	sadd.s32 $0x1, s14;
	_ =	swait.ge [sflag:s9], $0x4000  }
0x3f: {  	p0 =	sne.s32 s14, s6;
	[sflag:s9] =	ssyncset.done $0x0  }
.Ltmp1:
0x40: {  	[sflag:s9] =	ssyncadd.s32 $0xFFFFC000;
	(pc) =	sbr.rel @p0 .LBB2_1-.Ltmp1, $4  }
0x41: {  	[hbm4b:s15+s2] =	stream.linear.scatter [tilespmem:s13], [sflag:$0x1], $0x4000, $0x38;
	[tilespmem:$0xB800] =	vst v63  }
0x42: {  	_ =	swait.ge [sflag:s9], $0x4000  }
0x43: {  	[sflag:s9] =	ssyncset.done $0x0  }
0x44: {  	[sflag:s9] =	ssyncadd.s32 $0xFFFFC000  }
0x45: {  	_ =	sfence.sel $0x180000  }
0x46: {  	[bflag:$0x0] =	sbarrier.arrive $0xFFFF  }
0x47: {  	p0 =	sne.s32 s1, $0x0;
	_ =	strace $0x90000050  }
0x48: {  	s0 =	sadd.s32 @!p0 $0x100000, s0;
	[bflag:$0x2] =	sbarrier.arrive $0xFFFF  }
0x49: {  	[sflag:s0] =	ssyncadd.tile.s32 @!p0 $0x1;
	_ =	shalt  }
.Lfunc_end2:
_tile_overlayer_lowered:
.L_overlay_start_2:
0x4a: {  	(tag) =	ssettag $0x2  }
0x4b: {  	s0 =	rddreg [dreg:$0x0];
	s2 =	stileid.u32  }
0x4c: {  	s1 =	rddreg [dreg:$0x1];
	p0 =	sne.s32 s2, $0x0  }
0x4d: {  	s3 =	rddreg [dreg:$0x2];
	[bflag:$0x3] =	sbarrier.arrive $0xFFFF;
	s2 =	simm.s32 @!p0 $0x1C01  }
0x4e: {  	[timem:s3], [sflag:s2] =	dma.local @!p0 [hbm:s0], s1  }
0x4f: {  	s0 =	simm.s32 @!p0 $0x1  }
0x50: {  	_ =	swait.ge @!p0 [sflag:s0], s1  }
0x51: {  	s1 =	ssub.s32 @!p0 $0x0, s1;
	[sflag:s0] =	ssyncset.done @!p0 $0x0  }
0x52: {  	[sflag:s0] =	ssyncadd.s32 @!p0 s1  }
0x53: {  	[bflag:$0x3] =	sbarrier.arrive $0xFFFF  }
0x54: {  	_ =	shalt  }

// kernel: sc_segment_sum.4.cloned.1.call-start
scs
__scs_entry_jumppad:
0x0: {  	(pc) =	sbr.rel $0x88, $3  }
0x1: {  	(tag) =	ssettag $0x0;
	lr =	simm.s32 $0x1  }
0x2: {  	[smem:$0x3F96] =	sst lr;
	_ =	strace $0xD0000000  }
0x3: {  	_ = 	snop  }
0x4: {  	_ = 	snop  }
0x5: {  	_ = 	snop  }
0x6: {  	_ = 	snop  }
0x7: {  	_ = 	snop  }
__scs_overlays_trampoline_lowered:
0x8: {  	[smem:$0x3FA5] =	sst s0  }
0x9: {  	[smem:$0x3FA6] =	sst s1  }
0xa: {  	[smem:$0x3FA7] =	sst s2  }
0xb: {  	[smem:$0x3FA8] =	sst s3  }
0xc: {  	[smem:$0x3FA9] =	sst s4  }
0xd: {  	[smem:$0x3FAA] =	sst s5  }
0xe: {  	[smem:$0x3FAB] =	sst s6  }
0xf: {  	[smem:$0x3FAC] =	sst s7  }
0x10: {  	[smem:$0x3FAD] =	sst s8  }
0x11: {  	[smem:$0x3FAE] =	sst s9;
	s0 =	simm.s32 @!p0 $0x0  }
0x12: {  	s1 =	sld [smem:$0x3F94];
	s0 =	simm.s32 @p0 $0x1  }
0x13: {  	[smem:$0x3FAF] =	sst s0;
	s0 =	simm.s32 @!p1 $0x0  }
0x14: {  	s2 =	sld [smem:$0x3F93];
	s0 =	simm.s32 @p1 $0x1  }
0x15: {  	[smem:$0x3FB0] =	sst s0;
	s0 =	simm.s32 @!p2 $0x0  }
0x16: {  	s3 =	sld [smem:$0x3FDB];
	s0 =	simm.s32 @p2 $0x1  }
0x17: {  	s4 =	simm.s32 $0x1BF5;
	[smem:$0x3FB2] =	sst s0  }
0x18: {  	s0 =	sld [smem:$0x3F95];
	_ =	swait.ge [sflag:s4], $0x0  }
0x19: {  	s7 =	sld [smem:$0x3F96]  }
0x1a: {  	s8 =	sadd.s32 $0xFFFFE003, lr  }
0x1b: {  	s9 =	sadd.s32 $0xFFFFFEF7, lr;
	s5 =	simm.s32 $0xFFFFFFFF;
	p2 =	slt.u32 s8, $0xFFFFF086  }
0x1c: {  	p1 =	slt.u32 s9, $0xF7A;
	s5 =	simm.s32 @!p2 $0x0  }
0x1d: {  	s5 =	simm.s32 @p1 $0x1;
	p0 =	seq.s32 s7, s2  }
0x1e: {  	s7 =	smul.u32 @!p0 $0xF7A, s2;
	p2 =	seq.s32 @!p0 s5, $0x0  }
0x1f: {  	s9 =	smul.u32 $0xF7A, s1;
	s8 =	simm.s32 @!p0 $0x1BF5;
	p2 =	por !p2, p0  }
0x20: {  	[sflag:s8] =	ssyncset.s32 @!p0 $0xFFFFF086;
	s6 =	sadd.s32 @!p0 s3, s7;
	s7 =	simm.s32 @!p0 $0x108  }
0x21: {  	s3 =	sadd.s32 s3, s9;
	s6 =	sadd.s32 @!p0 $0x88, s6;
	s7 =	simm.s32 @p2 $0x1082  }
0x22: {  	[simem:s7], [sflag:s8] =	dma.local @!p0 [hbm:s6], $0xF7A  }
0x23: {  	s9 =	sor.u32 $0xD0000000, s2;
	s6 =	simm.s32 $0x108;
	_ =	swait.ge @!p0 [sflag:s8], $0x0  }
0x24: {  	s3 =	sadd.s32 $0x88, s3;
	s6 =	simm.s32 @!p1 $0x1082;
	[sflag:s4] =	ssyncset.s32 $0xFFFFF086  }
0x25: {  	[simem:s6], [sflag:s4] =	dma.local [hbm:s3], $0xF7A  }
0x26: {  	[smem:$0x3F96] =	sst s1;
	(tag) =	ssettag s2;
	_ =	strace s9  }
0x27: {  	s1 =	sld [smem:$0x3FA6]  }
0x28: {  	s2 =	sld [smem:$0x3FA7]  }
0x29: {  	s4 =	sld [smem:$0x3FA9]  }
0x2a: {  	p0 =	seq.s32 s5, $0x0;
	s5 =	sld [smem:$0x3FAA]  }
0x2b: {  	s6 =	sld [smem:$0x3FAB]  }
0x2c: {  	s7 =	sld [smem:$0x3FAC]  }
0x2d: {  	s3 =	simm.s32 $0x108;
	s8 =	sld [smem:$0x3FAD]  }
0x2e: {  	s3 =	simm.s32 @!p0 $0x1082;
	s9 =	sld [smem:$0x3FAE]  }
0x2f: {  	lr =	sadd.s32 s0, s3;
	s0 =	sld [smem:$0x3FA5]  }
0x30: {  	s3 =	sld [smem:$0x3FA8]  }
0x31: {  	[smem:$0x3FB1] =	sst s10  }
0x32: {  	s10 =	sld [smem:$0x3FAF];
	_ =	sdelay $0x3  }
0x33: {  	p0 =	seq.s32 s10, $0x1;
	s10 =	sld [smem:$0x3FB1];
	_ =	sdelay $0x3  }
0x34: {  	[smem:$0x3FB1] =	sst s10  }
0x35: {  	s10 =	sld [smem:$0x3FB0];
	_ =	sdelay $0x3  }
0x36: {  	p1 =	seq.s32 s10, $0x1;
	s10 =	sld [smem:$0x3FB1];
	_ =	sdelay $0x3  }
0x37: {  	[smem:$0x3FB1] =	sst s10  }
0x38: {  	s10 =	sld [smem:$0x3FB2]  }
0x39: {  	_ = 	snop;
	(pc) =	sbr.ind lr, $3  }
0x3a: {  	_ = 	snop  }
0x3b: {  	_ = 	snop  }
0x3c: {  	p2 =	seq.s32 s10, $0x1;
	s10 =	sld [smem:$0x3FB1]  }
0x3d: {  	_ =	shalt  }
0x3e: {  	_ =	shalt  }
0x3f: {  	_ =	shalt  }
0x40: {  	_ =	shalt  }
0x41: {  	_ =	shalt  }
0x42: {  	_ =	shalt  }
0x43: {  	_ =	shalt  }
0x44: {  	_ =	shalt  }
0x45: {  	_ =	shalt  }
0x46: {  	_ =	shalt  }
0x47: {  	_ =	shalt  }
0x48: {  	_ =	shalt  }
0x49: {  	_ =	shalt  }
0x4a: {  	_ =	shalt  }
0x4b: {  	_ =	shalt  }
0x4c: {  	_ =	shalt  }
0x4d: {  	_ =	shalt  }
0x4e: {  	_ =	shalt  }
0x4f: {  	_ =	shalt  }
0x50: {  	_ =	shalt  }
0x51: {  	_ =	shalt  }
0x52: {  	_ =	shalt  }
0x53: {  	_ =	shalt  }
0x54: {  	_ =	shalt  }
0x55: {  	_ =	shalt  }
0x56: {  	_ =	shalt  }
0x57: {  	_ =	shalt  }
0x58: {  	_ =	shalt  }
0x59: {  	_ =	shalt  }
0x5a: {  	_ =	shalt  }
0x5b: {  	_ =	shalt  }
0x5c: {  	_ =	shalt  }
0x5d: {  	_ =	shalt  }
0x5e: {  	_ =	shalt  }
0x5f: {  	_ =	shalt  }
0x60: {  	_ =	shalt  }
0x61: {  	_ =	shalt  }
0x62: {  	_ =	shalt  }
0x63: {  	_ =	shalt  }
0x64: {  	_ =	shalt  }
0x65: {  	_ =	shalt  }
0x66: {  	_ =	shalt  }
0x67: {  	_ =	shalt  }
0x68: {  	_ =	shalt  }
0x69: {  	_ =	shalt  }
0x6a: {  	_ =	shalt  }
0x6b: {  	_ =	shalt  }
0x6c: {  	_ =	shalt  }
0x6d: {  	_ =	shalt  }
0x6e: {  	_ =	shalt  }
0x6f: {  	_ =	shalt  }
0x70: {  	_ =	shalt  }
0x71: {  	_ =	shalt  }
0x72: {  	_ =	shalt  }
0x73: {  	_ =	shalt  }
0x74: {  	_ =	shalt  }
0x75: {  	_ =	shalt  }
0x76: {  	_ =	shalt  }
0x77: {  	_ =	shalt  }
0x78: {  	_ =	shalt  }
0x79: {  	_ =	shalt  }
0x7a: {  	_ =	shalt  }
0x7b: {  	_ =	shalt  }
0x7c: {  	_ =	shalt  }
0x7d: {  	_ =	shalt  }
0x7e: {  	_ =	shalt  }
0x7f: {  	_ =	shalt  }
0x80: {  	_ =	shalt  }
0x81: {  	_ =	shalt  }
0x82: {  	_ =	shalt  }
0x83: {  	_ =	shalt  }
0x84: {  	_ =	shalt  }
0x85: {  	_ =	shalt  }
0x86: {  	_ =	shalt  }
0x87: {  	_ =	shalt  }
.Lfunc_end0:
.L_simem_size_0:
called_computation.1_lowered:
.L_overlay_start_0:
0x88: {  	s2 =	sld [smem:$0x3FD9]  }
0x89: {  	s3 =	sld [smem:$0x3FFE];
	_ =	sdelay $0x1  }
0x8a: {  	s1 =	srdreg.scid  }
0x8b: {  	s0 =	sand.u32 $0x1, s1  }
0x8c: {  	s17 =	sshll.u32 s0, $0xA;
	s2 =	sadd.s32 s3, s2  }
0x8d: {  	s2 =	sadd.s32 s2, s17  }
0x8e: {  	[smem:$0x3FBD] =	sst s2  }
0x8f: {  	_ = 	snop  }
0x90: {  	s18 =	sld [smem:$0x3FC9]  }
0x91: {  	s4 =	sld [smem:$0x3FD0];
	(tm) =	ssettm $0x1  }
0x92: {  	s19 =	sld [smem:$0x3FFB];
	_ =	sdelay $0x3  }
0x93: {  	_ =	strace s19  }
0x94: {  	s2 =	sld [smem:$0x3FFC];
	_ =	sdelay $0x3  }
0x95: {  	_ =	strace s2  }
0x96: {  	s2 =	sld [smem:$0x3FFD];
	_ =	sdelay $0x3  }
0x97: {  	_ =	strace s2  }
0x98: {  	_ =	strace $0x8FFFFFFF  }
0x99: {  	s20 =	sld [smem:$0x3FDB];
	_ =	sdelay $0x1  }
0x9a: {  	s5 =	simm.s32 $_scs_section_size  }
0x9b: {  	s6 =	simm.s32 $_size__tile_overlayer_lowered;
	s7 =	simm.s32 $_tile_overlayer_lowered  }
0x9c: {  	s8 =	simm.s32 $0x1BFF;
	s21 =	sshll.u32 s7, $0x1;
	s5 =	sadd.s32 s5, s20  }
0x9d: {  	s22 =	simm.s32 $0x0;
	s6 =	sshll.u32 s6, $0x1;
	s7 =	sadd.s32 s21, s5  }
0x9e: {  	[timem:s22], [sflag:s8] =	dma.local [hbm:s7], s6  }
0x9f: {  	_ =	swait.ge [sflag:s8], s6  }
0xa0: {  	s6 =	ssub.s32 $0x0, s6;
	[sflag:s8] =	ssyncset.done $0x0  }
0xa1: {  	[sflag:s8] =	ssyncadd.s32 s6;
	_ =	sdelay $0x1  }
0xa2: {  	s23 =	simm.s32 $0x1B8B  }
0xa3: {  	_ =	swait.ge [sflag:s23], $0x1  }
0xa4: {  	[sflag:s23] =	ssyncset.done $0x0  }
0xa5: {  	[sflag:s23] =	ssyncadd.s32 $0xFFFFFFFF  }
0xa6: {  	s6 =	sld [smem:$0x0]  }
0xa7: {  	s7 =	sand.u32 $0xFFFFFFFE, s1  }
0xa8: {  	p0 =	sne.s32 s1, s7  }
0xa9: {  	s7 =	sshll.u32 @p0 s7, $0xE  }
0xaa: {  	s7 =	sadd.s32 @p0 $0x11B8D, s7;
	s8 =	sshll.u32 @p0 s6, $0x11  }
0xab: {  	s7 =	sor.u32 @p0 s8, s7  }
0xac: {  	[sflag:s7] =	ssyncadd.remote.s32 @p0 $0x1;
	_ =	sdelay $0x1  }
0xad: {  	s7 =	simm.s32 @p0 $0x1B8D  }
0xae: {  	_ =	swait.eq @p0 [sflag:s7], $0x1  }
0xaf: {  	[sflag:s7] =	ssyncadd.s32 @p0 $0xFFFFFFFF  }
0xb0: {  	s8 =	sshll.u32 @!p0 s1, $0xE  }
0xb1: {  	s8 =	sor.u32 @!p0 $0x4000, s8;
	s7 =	simm.s32 @!p0 $0x1B8D  }
0xb2: {  	s6 =	sshll.u32 @!p0 s6, $0x11;
	s8 =	sadd.s32 @!p0 $0x11B8D, s8;
	_ =	swait.eq @!p0 [sflag:s7], $0x1  }
0xb3: {  	s6 =	sor.u32 @!p0 s6, s8;
	[sflag:s7] =	ssyncadd.s32 @!p0 $0xFFFFFFFF  }
0xb4: {  	s25 =	simm.s32 $0x1B8E;
	s24 =	sld [smem:$0x3FFE];
	[sflag:s6] =	ssyncadd.remote.s32 @!p0 $0x1  }
0xb5: {  	s26 =	simm.s32 $execute0_lowered;
	[smem:$0x3FD2] =	sst s25  }
0xb6: {  	s7 =	sshll.u32 s26, $0x1;
	_ =	strace $0x80000049;
	[dreg:$0x1] =	wrdreg $0xFFFFFFFF  }
0xb7: {  	s28 =	simm.s32 $_size_execute0_lowered;
	s5 =	sadd.s32 s5, s7;
	[dreg:$0x0] =	wrdreg $0x0  }
0xb8: {  	s7 =	sshll.u32 s28, $0x1;
	[dreg:$0x2] =	wrdreg s5  }
0xb9: {  	[dreg:$0x3] =	wrdreg s7  }
0xba: {  	[dreg:$0x4] =	wrdreg $0xC0  }
0xbb: {  	_ =	task [dreg:s22], $0x5FFFF  }
0xbc: {  	[dreg:$0x1] =	wrdreg $0xFFFFFFFF  }
0xbd: {  	[dreg:$0x0] =	wrdreg $0x60  }
0xbe: {  	[dreg:$0x2] =	wrdreg s18  }
0xbf: {  	[dreg:$0x3] =	wrdreg s4  }
0xc0: {  	[dreg:$0x4] =	wrdreg s24  }
0xc1: {  	[dreg:$0x5] =	wrdreg $0x60000  }
0xc2: {  	[dreg:$0x6] =	wrdreg $0xA  }
0xc3: {  	_ =	task.clear_ibuf [dreg:s22], $0x7FFFF;
	_ =	strace $0x90000049  }
0xc4: {  	s29 =	simm.s32 $0xA;
	_ =	strace $0x8000004B  }
0xc5: {  	_ =	swait.ge [sflag:s29], $0x1  }
0xc6: {  	[sflag:s29] =	ssyncadd.s32 $0xFFFFFFFF  }
0xc7: {  	_ =	strace $0x9000004B  }
0xc8: {  	_ =	sfence  }
0xc9: {  	s30 =	sld [smem:$0x0];
	_ =	sdelay $0x2  }
0xca: {  	s31 =	sshll.u32 s1, $0xD;
	s1 =	sshrl.u32 s1, $0x2  }
0xcb: {  	s4 =	sand.u32 $0x4000, s31;
	s1 =	sadd.s32 s1, s30  }
0xcc: {  	s0 =	sor.u32 s4, s0;
	s1 =	sshll.u32 s1, $0x11  }
0xcd: {  	s0 =	sor.u32 s1, s0  }
0xce: {  	s0 =	sadd.s32 $0x8F2B, s0  }
0xcf: {  	[sflag:s0] =	ssyncadd.remote.s32 $0x1  }
0xd0: {  	_ =	sfence.sel $0xFFFF  }
0xd1: {  	[dreg:$0x0] =	wrdreg $0xFFFFFFFF;
	(pc) =	sbr.abs _section_cstart, $3  }
0xd2: {  	[dreg:$0x1] =	wrdreg $0xFFFFFFFF  }
0xd3: {  	_ =	task.clear_ibuf [dreg:s22], $0x2FFFF;
	_ =	strace $0x9FFFFFFF  }
0xd4: {  	(tm) =	ssettm $0x7FFFFFFF  }
0xd5: {  	_ =	shalt  }
tec
execute0_lowered:
.L_overlay_start_1:
0x0: {  	(tag) =	ssettag $0x1  }
0x1: {  	s1 =	rddreg [dreg:$0x0]  }
0x2: {  	s5 =	rddreg [dreg:$0x1]  }
0x3: {  	s6 =	rddreg [dreg:$0x2]  }
0x4: {  	s2 =	rddreg [dreg:$0x3];
	s3 =	srdreg.scid  }
0x5: {  	s0 =	rddreg [dreg:$0x4];
	s9 =	stileid.u32;
	s12 =	simm.s32 $0x80  }
0x6: {  	s13 =	simm.s32 $0x2000;
	s14 =	simm.s32 $0x0;
	s4 =	sand.u32 $0x1, s3  }
0x7: {  	s3 =	simm.s32 $0x0;
	s8 =	sshll.u32 s9, $0x9;
	p0 =	sne.s32 s9, $0x0  }
0x8: {  	s7 =	sshll.u32 s4, $0xD;
	[smem:$0x7FF] =	sst s3;
	s30 =	smul.u32 $0x1F800, s4  }
0x9: {  	s11 =	ssub.s32 $0x2, s4;
	s4 =	sadd.s32 $0x6800, s6;
	s9 =	sshrl.u32 @!p0 s2, $0x3  }
0xa: {  	s7 =	sor.u32 s8, s7;
	_ =	strace $0x8000004A;
	s31 =	sshrl.u32 s11, $0x1  }
0xb: {  	s10 =	sadd.s32 s7, s6;
	s8 =	sadd.s32 s30, s6;
	s11 =	ssub.s32 s11, s31  }
0xc: {  	s5 =	sadd.s32 s5, s7;
	s6 =	sadd.s32 $0x2000, s10;
	s7 =	sadd.s32 $0x65000, s8  }
0xd: {  	s8 =	smax.u32 s11, $0x1;
	s10 =	simm.s32 $0x1;
	s11 =	simm.s32 $0x1000  }
.LBB2_1:
0xe: {  	s15 =	simm.s32 @!p0 $0x1C01  }
0xf: {  	[spmem:s9], [sflag:s15] =	dma.local @!p0 [hbm:s4], $0x1F800  }
0x10: {  	s15 =	simm.s32 @!p0 $0x1  }
0x11: {  	_ =	swait.ge @!p0 [sflag:s15], $0x1F800  }
0x12: {  	[sflag:s15] =	ssyncset.done @!p0 $0x0  }
0x13: {  	[sflag:s15] =	ssyncadd.s32 @!p0 $0xFFFE0800  }
0x14: {  	[tilespmem:s3], [sflag:$0x1] =	stream.linear.gather [hbm4b:s5+s3], $0x1000, $0x38;
	[tilespmem:$0x15C00] =	vst v63  }
0x15: {  	_ =	swait.ge [sflag:s10], $0x1000  }
0x16: {  	[sflag:s10] =	ssyncset.done $0x0  }
0x17: {  	[sflag:s10] =	ssyncadd.s32 $0xFFFFF000  }
0x18: {  	[tilespmem:s11], [sflag:$0x1] =	stream.linear.gather [hbm4b:s6+s3], $0x1000, $0x38;
	[tilespmem:$0x15C00] =	vst v63  }
0x19: {  	_ =	swait.ge [sflag:s10], $0x1000  }
0x1a: {  	[sflag:s10] =	ssyncset.done $0x0  }
0x1b: {  	[sflag:s10] =	ssyncadd.s32 $0xFFFFF000  }
0x1c: {  	s30 =	simm.s32 $0x0;
	[bflag:$0x0] =	sbarrier.arrive $0xFFFF  }
0x1d: {  	[tilespmem:s13], [sflag:$0x1] =	stream.indirect.gather [hbm4b:s1+s12], $0x80, s30, s12, $0xb8;
	[tilespmem:$0x15C00] =	vst v63  }
0x1e: {  	_ =	swait.ge [sflag:s10], $0x4000  }
0x1f: {  	[sflag:s10] =	ssyncset.done $0x0  }
0x20: {  	s31 =	simm.s32 $0x1000;
	[sflag:s10] =	ssyncadd.s32 $0xFFFFC000  }
0x21: {  	[spmem:s2] =	stream.indirect.scatter.add.f32 [tilespmem:s13], [sflag:$0x1], $0x80, s31, s12, $0xb8;
	[tilespmem:$0x15C00] =	vst v63  }
0x22: {  	_ =	swait.ge [sflag:s10], $0x4000  }
0x23: {  	s16 =	simm.s32 $0x400;
	s15 =	simm.s32 $0x200;
	[sflag:s10] =	ssyncset.done $0x0  }
.LBB2_2:
0x24: {  	s17 =	sshra.s32 s15, $0x2  }
0x25: {  	[sflag:s10] =	ssyncadd.s32 $0xFFFFC000;
	s15 =	smov.u32 s16;
	s18 =	sadd.s32 $0x200, s16  }
0x26: {  	[tilespmem:s13], [sflag:$0x1] =	stream.indirect.gather [hbm4b:s1+s12], $0x80, s17, s12, $0xb8;
	[tilespmem:$0x15C00] =	vst v63  }
0x27: {  	p1 =	sne.s32 s16, $0x3E00;
	_ =	swait.ge [sflag:s10], $0x4000  }
.Ltmp0:
0x28: {  	[sflag:s10] =	ssyncset.done $0x0;
	(pc) =	sbr.rel @p1 .LBB2_2-.Ltmp0, $4  }
0x29: {  	s16 =	sadd.s32 $0x1000, s17;
	[sflag:s10] =	ssyncadd.s32 $0xFFFFC000  }
0x2a: {  	[spmem:s2] =	stream.indirect.scatter.add.f32 [tilespmem:s13], [sflag:$0x1], $0x80, s16, s12, $0xb8;
	[tilespmem:$0x15C00] =	vst v63  }
0x2b: {  	_ =	swait.ge [sflag:s10], $0x4000  }
0x2c: {  	s16 =	smov.u32 s18;
	[sflag:s10] =	ssyncset.done $0x0  }
0x2d: {  	s15 =	sshra.s32 s15, $0x2;
	[sflag:s10] =	ssyncadd.s32 $0xFFFFC000  }
0x2e: {  	[tilespmem:s13], [sflag:$0x1] =	stream.indirect.gather [hbm4b:s1+s12], $0x80, s15, s12, $0xb8;
	[tilespmem:$0x15C00] =	vst v63  }
0x2f: {  	_ =	swait.ge [sflag:s10], $0x4000  }
0x30: {  	[sflag:s10] =	ssyncset.done $0x0  }
0x31: {  	s15 =	sadd.s32 $0x1000, s15;
	[sflag:s10] =	ssyncadd.s32 $0xFFFFC000  }
0x32: {  	[spmem:s2] =	stream.indirect.scatter.add.f32 [tilespmem:s13], [sflag:$0x1], $0x80, s15, s12, $0xb8;
	[tilespmem:$0x15C00] =	vst v63  }
0x33: {  	_ =	swait.ge [sflag:s10], $0x4000  }
0x34: {  	[sflag:s10] =	ssyncset.done $0x0  }
0x35: {  	s14 =	sadd.s32 $0x1, s14;
	[sflag:s10] =	ssyncadd.s32 $0xFFFFC000  }
0x36: {  	p1 =	sne.s32 s14, s8;
	s15 =	simm.s32 @!p0 $0x1C01;
	[bflag:$0x0] =	sbarrier.arrive $0xFFFF  }
0x37: {  	[hbm:s7], [sflag:s15] =	dma.local @!p0 [spmem:s9], $0x1F800  }
.Ltmp1:
0x38: {  	_ = 	snop;
	(pc) =	sbr.rel @p1 .LBB2_1-.Ltmp1, $4  }
0x39: {  	s15 =	simm.s32 @!p0 $0x1  }
0x3a: {  	_ =	swait.ge @!p0 [sflag:s15], $0x1F800  }
0x3b: {  	[sflag:s15] =	ssyncset.done @!p0 $0x0  }
0x3c: {  	[sflag:s15] =	ssyncadd.s32 @!p0 $0xFFFE0800  }
0x3d: {  	_ =	sfence.sel $0x180000  }
0x3e: {  	[bflag:$0x0] =	sbarrier.arrive $0xFFFF  }
0x3f: {  	_ =	strace $0x9000004A  }
0x40: {  	s0 =	sadd.s32 @!p0 $0x100000, s0;
	[bflag:$0x2] =	sbarrier.arrive $0xFFFF  }
0x41: {  	[sflag:s0] =	ssyncadd.tile.s32 @!p0 $0x1;
	_ =	shalt  }
.Lfunc_end2:
_tile_overlayer_lowered:
.L_overlay_start_2:
0x42: {  	(tag) =	ssettag $0x2  }
0x43: {  	s0 =	rddreg [dreg:$0x0];
	s2 =	stileid.u32  }
0x44: {  	s1 =	rddreg [dreg:$0x1];
	p0 =	sne.s32 s2, $0x0  }
0x45: {  	s3 =	rddreg [dreg:$0x2];
	[bflag:$0x3] =	sbarrier.arrive $0xFFFF;
	s2 =	simm.s32 @!p0 $0x1C01  }
0x46: {  	[timem:s3], [sflag:s2] =	dma.local @!p0 [hbm:s0], s1  }
0x47: {  	s0 =	simm.s32 @!p0 $0x1  }
0x48: {  	_ =	swait.ge @!p0 [sflag:s0], s1  }
0x49: {  	s1 =	ssub.s32 @!p0 $0x0, s1;
	[sflag:s0] =	ssyncset.done @!p0 $0x0  }
0x4a: {  	[sflag:s0] =	ssyncadd.s32 @!p0 s1  }
0x4b: {  	[bflag:$0x3] =	sbarrier.arrive $0xFFFF  }
0x4c: {  	_ =	shalt  }

// kernel: sc_segment_sum.7.cloned.1.call-start
scs
__scs_entry_jumppad:
0x0: {  	(pc) =	sbr.rel $0x88, $3  }
0x1: {  	(tag) =	ssettag $0x0;
	lr =	simm.s32 $0x1  }
0x2: {  	[smem:$0x3F96] =	sst lr;
	_ =	strace $0xD0000000  }
0x3: {  	_ = 	snop  }
0x4: {  	_ = 	snop  }
0x5: {  	_ = 	snop  }
0x6: {  	_ = 	snop  }
0x7: {  	_ = 	snop  }
__scs_overlays_trampoline_lowered:
0x8: {  	[smem:$0x3FA5] =	sst s0  }
0x9: {  	[smem:$0x3FA6] =	sst s1  }
0xa: {  	[smem:$0x3FA7] =	sst s2  }
0xb: {  	[smem:$0x3FA8] =	sst s3  }
0xc: {  	[smem:$0x3FA9] =	sst s4  }
0xd: {  	[smem:$0x3FAA] =	sst s5  }
0xe: {  	[smem:$0x3FAB] =	sst s6  }
0xf: {  	[smem:$0x3FAC] =	sst s7  }
0x10: {  	[smem:$0x3FAD] =	sst s8  }
0x11: {  	[smem:$0x3FAE] =	sst s9;
	s0 =	simm.s32 @!p0 $0x0  }
0x12: {  	s1 =	sld [smem:$0x3F94];
	s0 =	simm.s32 @p0 $0x1  }
0x13: {  	[smem:$0x3FAF] =	sst s0;
	s0 =	simm.s32 @!p1 $0x0  }
0x14: {  	s2 =	sld [smem:$0x3F93];
	s0 =	simm.s32 @p1 $0x1  }
0x15: {  	[smem:$0x3FB0] =	sst s0;
	s0 =	simm.s32 @!p2 $0x0  }
0x16: {  	s3 =	sld [smem:$0x3FDB];
	s0 =	simm.s32 @p2 $0x1  }
0x17: {  	s4 =	simm.s32 $0x1BF5;
	[smem:$0x3FB2] =	sst s0  }
0x18: {  	s0 =	sld [smem:$0x3F95];
	_ =	swait.ge [sflag:s4], $0x0  }
0x19: {  	s7 =	sld [smem:$0x3F96]  }
0x1a: {  	s8 =	sadd.s32 $0xFFFFE003, lr  }
0x1b: {  	s9 =	sadd.s32 $0xFFFFFEF7, lr;
	s5 =	simm.s32 $0xFFFFFFFF;
	p2 =	slt.u32 s8, $0xFFFFF086  }
0x1c: {  	p1 =	slt.u32 s9, $0xF7A;
	s5 =	simm.s32 @!p2 $0x0  }
0x1d: {  	s5 =	simm.s32 @p1 $0x1;
	p0 =	seq.s32 s7, s2  }
0x1e: {  	s7 =	smul.u32 @!p0 $0xF7A, s2;
	p2 =	seq.s32 @!p0 s5, $0x0  }
0x1f: {  	s9 =	smul.u32 $0xF7A, s1;
	s8 =	simm.s32 @!p0 $0x1BF5;
	p2 =	por !p2, p0  }
0x20: {  	[sflag:s8] =	ssyncset.s32 @!p0 $0xFFFFF086;
	s6 =	sadd.s32 @!p0 s3, s7;
	s7 =	simm.s32 @!p0 $0x108  }
0x21: {  	s3 =	sadd.s32 s3, s9;
	s6 =	sadd.s32 @!p0 $0x88, s6;
	s7 =	simm.s32 @p2 $0x1082  }
0x22: {  	[simem:s7], [sflag:s8] =	dma.local @!p0 [hbm:s6], $0xF7A  }
0x23: {  	s9 =	sor.u32 $0xD0000000, s2;
	s6 =	simm.s32 $0x108;
	_ =	swait.ge @!p0 [sflag:s8], $0x0  }
0x24: {  	s3 =	sadd.s32 $0x88, s3;
	s6 =	simm.s32 @!p1 $0x1082;
	[sflag:s4] =	ssyncset.s32 $0xFFFFF086  }
0x25: {  	[simem:s6], [sflag:s4] =	dma.local [hbm:s3], $0xF7A  }
0x26: {  	[smem:$0x3F96] =	sst s1;
	(tag) =	ssettag s2;
	_ =	strace s9  }
0x27: {  	s1 =	sld [smem:$0x3FA6]  }
0x28: {  	s2 =	sld [smem:$0x3FA7]  }
0x29: {  	s4 =	sld [smem:$0x3FA9]  }
0x2a: {  	p0 =	seq.s32 s5, $0x0;
	s5 =	sld [smem:$0x3FAA]  }
0x2b: {  	s6 =	sld [smem:$0x3FAB]  }
0x2c: {  	s7 =	sld [smem:$0x3FAC]  }
0x2d: {  	s3 =	simm.s32 $0x108;
	s8 =	sld [smem:$0x3FAD]  }
0x2e: {  	s3 =	simm.s32 @!p0 $0x1082;
	s9 =	sld [smem:$0x3FAE]  }
0x2f: {  	lr =	sadd.s32 s0, s3;
	s0 =	sld [smem:$0x3FA5]  }
0x30: {  	s3 =	sld [smem:$0x3FA8]  }
0x31: {  	[smem:$0x3FB1] =	sst s10  }
0x32: {  	s10 =	sld [smem:$0x3FAF];
	_ =	sdelay $0x3  }
0x33: {  	p0 =	seq.s32 s10, $0x1;
	s10 =	sld [smem:$0x3FB1];
	_ =	sdelay $0x3  }
0x34: {  	[smem:$0x3FB1] =	sst s10  }
0x35: {  	s10 =	sld [smem:$0x3FB0];
	_ =	sdelay $0x3  }
0x36: {  	p1 =	seq.s32 s10, $0x1;
	s10 =	sld [smem:$0x3FB1];
	_ =	sdelay $0x3  }
0x37: {  	[smem:$0x3FB1] =	sst s10  }
0x38: {  	s10 =	sld [smem:$0x3FB2]  }
0x39: {  	_ = 	snop;
	(pc) =	sbr.ind lr, $3  }
0x3a: {  	_ = 	snop  }
0x3b: {  	_ = 	snop  }
0x3c: {  	p2 =	seq.s32 s10, $0x1;
	s10 =	sld [smem:$0x3FB1]  }
0x3d: {  	_ =	shalt  }
0x3e: {  	_ =	shalt  }
0x3f: {  	_ =	shalt  }
0x40: {  	_ =	shalt  }
0x41: {  	_ =	shalt  }
0x42: {  	_ =	shalt  }
0x43: {  	_ =	shalt  }
0x44: {  	_ =	shalt  }
0x45: {  	_ =	shalt  }
0x46: {  	_ =	shalt  }
0x47: {  	_ =	shalt  }
0x48: {  	_ =	shalt  }
0x49: {  	_ =	shalt  }
0x4a: {  	_ =	shalt  }
0x4b: {  	_ =	shalt  }
0x4c: {  	_ =	shalt  }
0x4d: {  	_ =	shalt  }
0x4e: {  	_ =	shalt  }
0x4f: {  	_ =	shalt  }
0x50: {  	_ =	shalt  }
0x51: {  	_ =	shalt  }
0x52: {  	_ =	shalt  }
0x53: {  	_ =	shalt  }
0x54: {  	_ =	shalt  }
0x55: {  	_ =	shalt  }
0x56: {  	_ =	shalt  }
0x57: {  	_ =	shalt  }
0x58: {  	_ =	shalt  }
0x59: {  	_ =	shalt  }
0x5a: {  	_ =	shalt  }
0x5b: {  	_ =	shalt  }
0x5c: {  	_ =	shalt  }
0x5d: {  	_ =	shalt  }
0x5e: {  	_ =	shalt  }
0x5f: {  	_ =	shalt  }
0x60: {  	_ =	shalt  }
0x61: {  	_ =	shalt  }
0x62: {  	_ =	shalt  }
0x63: {  	_ =	shalt  }
0x64: {  	_ =	shalt  }
0x65: {  	_ =	shalt  }
0x66: {  	_ =	shalt  }
0x67: {  	_ =	shalt  }
0x68: {  	_ =	shalt  }
0x69: {  	_ =	shalt  }
0x6a: {  	_ =	shalt  }
0x6b: {  	_ =	shalt  }
0x6c: {  	_ =	shalt  }
0x6d: {  	_ =	shalt  }
0x6e: {  	_ =	shalt  }
0x6f: {  	_ =	shalt  }
0x70: {  	_ =	shalt  }
0x71: {  	_ =	shalt  }
0x72: {  	_ =	shalt  }
0x73: {  	_ =	shalt  }
0x74: {  	_ =	shalt  }
0x75: {  	_ =	shalt  }
0x76: {  	_ =	shalt  }
0x77: {  	_ =	shalt  }
0x78: {  	_ =	shalt  }
0x79: {  	_ =	shalt  }
0x7a: {  	_ =	shalt  }
0x7b: {  	_ =	shalt  }
0x7c: {  	_ =	shalt  }
0x7d: {  	_ =	shalt  }
0x7e: {  	_ =	shalt  }
0x7f: {  	_ =	shalt  }
0x80: {  	_ =	shalt  }
0x81: {  	_ =	shalt  }
0x82: {  	_ =	shalt  }
0x83: {  	_ =	shalt  }
0x84: {  	_ =	shalt  }
0x85: {  	_ =	shalt  }
0x86: {  	_ =	shalt  }
0x87: {  	_ =	shalt  }
.Lfunc_end0:
.L_simem_size_0:
called_computation.2_lowered:
.L_overlay_start_0:
0x88: {  	s2 =	sld [smem:$0x3FD9]  }
0x89: {  	s3 =	sld [smem:$0x3FFE];
	_ =	sdelay $0x1  }
0x8a: {  	s1 =	srdreg.scid  }
0x8b: {  	s0 =	sand.u32 $0x1, s1  }
0x8c: {  	s17 =	sshll.u32 s0, $0xA;
	s2 =	sadd.s32 s3, s2  }
0x8d: {  	s2 =	sadd.s32 s2, s17  }
0x8e: {  	[smem:$0x3FBD] =	sst s2  }
0x8f: {  	_ = 	snop  }
0x90: {  	s2 =	sld [smem:$0x3FD0];
	(tm) =	ssettm $0x1  }
0x91: {  	s18 =	sld [smem:$0x3FFB];
	_ =	sdelay $0x3  }
0x92: {  	_ =	strace s18  }
0x93: {  	s3 =	sld [smem:$0x3FFC];
	_ =	sdelay $0x3  }
0x94: {  	_ =	strace s3  }
0x95: {  	s3 =	sld [smem:$0x3FFD];
	_ =	sdelay $0x3  }
0x96: {  	_ =	strace s3  }
0x97: {  	_ =	strace $0x8FFFFFFF  }
0x98: {  	s19 =	sld [smem:$0x3FDB];
	_ =	sdelay $0x1  }
0x99: {  	s4 =	simm.s32 $_scs_section_size  }
0x9a: {  	s5 =	simm.s32 $_size__tile_overlayer_lowered;
	s6 =	simm.s32 $_tile_overlayer_lowered  }
0x9b: {  	s22 =	simm.s32 $0x1BFF;
	s21 =	sshll.u32 s6, $0x1;
	s3 =	sadd.s32 s4, s19  }
0x9c: {  	s7 =	simm.s32 $0x0;
	s20 =	sshll.u32 s5, $0x1;
	s5 =	sadd.s32 s21, s3  }
0x9d: {  	[timem:s7], [sflag:s22] =	dma.local [hbm:s5], s20  }
0x9e: {  	_ =	swait.ge [sflag:s22], s20  }
0x9f: {  	s4 =	ssub.s32 $0x0, s20;
	[sflag:s22] =	ssyncset.done $0x0  }
0xa0: {  	[sflag:s22] =	ssyncadd.s32 s4;
	_ =	sdelay $0x1  }
0xa1: {  	s23 =	simm.s32 $0x1B8B  }
0xa2: {  	_ =	swait.ge [sflag:s23], $0x1  }
0xa3: {  	[sflag:s23] =	ssyncset.done $0x0  }
0xa4: {  	s25 =	simm.s32 $0x1B8E;
	s24 =	sld [smem:$0x3FFE];
	[sflag:s23] =	ssyncadd.s32 $0xFFFFFFFF  }
0xa5: {  	s26 =	simm.s32 $execute0_lowered;
	[smem:$0x3FD2] =	sst s25  }
0xa6: {  	s5 =	sshll.u32 s26, $0x1;
	_ =	strace $0x8000004C;
	[dreg:$0x1] =	wrdreg $0xFFFFFFFF  }
0xa7: {  	s28 =	simm.s32 $_size_execute0_lowered;
	s3 =	sadd.s32 s3, s5;
	[dreg:$0x0] =	wrdreg $0x0  }
0xa8: {  	s5 =	sshll.u32 s28, $0x1;
	[dreg:$0x2] =	wrdreg s3  }
0xa9: {  	[dreg:$0x3] =	wrdreg s5  }
0xaa: {  	[dreg:$0x4] =	wrdreg $0xC0  }
0xab: {  	_ =	task [dreg:s7], $0x5FFFF  }
0xac: {  	[dreg:$0x1] =	wrdreg $0xFFFFFFFF  }
0xad: {  	[dreg:$0x0] =	wrdreg $0x60  }
0xae: {  	[dreg:$0x2] =	wrdreg s24  }
0xaf: {  	[dreg:$0x3] =	wrdreg s2  }
0xb0: {  	[dreg:$0x4] =	wrdreg $0x60000  }
0xb1: {  	[dreg:$0x5] =	wrdreg $0x9  }
0xb2: {  	_ =	task.clear_ibuf [dreg:s7], $0x6FFFF;
	_ =	strace $0x9000004C  }
0xb3: {  	s29 =	simm.s32 $0x9;
	_ =	strace $0x8000004E  }
0xb4: {  	_ =	swait.ge [sflag:s29], $0x1  }
0xb5: {  	[sflag:s29] =	ssyncadd.s32 $0xFFFFFFFF  }
0xb6: {  	_ =	strace $0x9000004E  }
0xb7: {  	_ =	sfence  }
0xb8: {  	s30 =	sld [smem:$0x0];
	_ =	sdelay $0x2  }
0xb9: {  	s31 =	sshll.u32 s1, $0xD;
	s1 =	sshrl.u32 s1, $0x2  }
0xba: {  	s3 =	sand.u32 $0x4000, s31;
	s1 =	sadd.s32 s1, s30  }
0xbb: {  	s0 =	sor.u32 s3, s0;
	s1 =	sshll.u32 s1, $0x11  }
0xbc: {  	s0 =	sor.u32 s1, s0  }
0xbd: {  	s0 =	sadd.s32 $0x8F2B, s0  }
0xbe: {  	[sflag:s0] =	ssyncadd.remote.s32 $0x1  }
0xbf: {  	_ =	sfence.sel $0xFFFF  }
0xc0: {  	[dreg:$0x0] =	wrdreg $0xFFFFFFFF;
	(pc) =	sbr.abs _section_cstart, $3  }
0xc1: {  	[dreg:$0x1] =	wrdreg $0xFFFFFFFF  }
0xc2: {  	_ =	task.clear_ibuf [dreg:s7], $0x2FFFF;
	_ =	strace $0x9FFFFFFF  }
0xc3: {  	(tm) =	ssettm $0x7FFFFFFF  }
tec
execute0_lowered:
.L_overlay_start_1:
0x0: {  	(tag) =	ssettag $0x1  }
0x1: {  	s5 =	rddreg [dreg:$0x0]  }
0x2: {  	s6 =	rddreg [dreg:$0x1]  }
0x3: {  	s1 =	rddreg [dreg:$0x2]  }
0x4: {  	s0 =	rddreg [dreg:$0x3];
	s3 =	srdreg.scid  }
0x5: {  	s2 =	simm.s32 $0x0;
	s9 =	stileid.u32;
	s12 =	simm.s32 $0x80  }
0x6: {  	s13 =	simm.s32 $0x2000;
	s14 =	simm.s32 $0x0;
	s4 =	sand.u32 $0x1, s3  }
0x7: {  	[smem:$0x7FF] =	sst s2;
	s7 =	sshll.u32 s9, $0x9;
	p0 =	sne.s32 s9, $0x0  }
0x8: {  	s3 =	sshll.u32 s4, $0xD;
	_ =	strace $0x8000004D;
	s8 =	smul.u32 $0x1F800, s4  }
0x9: {  	s11 =	ssub.s32 $0x2, s4;
	s4 =	sadd.s32 $0x6800, s5;
	s9 =	sshrl.u32 @!p0 s1, $0x3  }
0xa: {  	s7 =	sor.u32 s7, s3;
	s3 =	sadd.s32 $0x65000, s5;
	s31 =	sshrl.u32 s11, $0x1  }
0xb: {  	s10 =	sadd.s32 s7, s5;
	s8 =	sadd.s32 s8, s5;
	s11 =	ssub.s32 s11, s31  }
0xc: {  	s5 =	sadd.s32 s6, s7;
	s6 =	sadd.s32 $0x2000, s10;
	s7 =	sadd.s32 $0x84400, s8  }
0xd: {  	s8 =	smax.u32 s11, $0x1;
	s10 =	simm.s32 $0x1;
	s11 =	simm.s32 $0x1000  }
.LBB2_1:
0xe: {  	s15 =	simm.s32 @!p0 $0x1C01  }
0xf: {  	[spmem:s9], [sflag:s15] =	dma.local @!p0 [hbm:s4], $0x1F800  }
0x10: {  	s15 =	simm.s32 @!p0 $0x1  }
0x11: {  	_ =	swait.ge @!p0 [sflag:s15], $0x1F800  }
0x12: {  	[sflag:s15] =	ssyncset.done @!p0 $0x0  }
0x13: {  	[sflag:s15] =	ssyncadd.s32 @!p0 $0xFFFE0800  }
0x14: {  	[tilespmem:s2], [sflag:$0x1] =	stream.linear.gather [hbm4b:s5+s2], $0x1000, $0x38;
	[tilespmem:$0x15C00] =	vst v63  }
0x15: {  	_ =	swait.ge [sflag:s10], $0x1000  }
0x16: {  	[sflag:s10] =	ssyncset.done $0x0  }
0x17: {  	[sflag:s10] =	ssyncadd.s32 $0xFFFFF000  }
0x18: {  	[tilespmem:s11], [sflag:$0x1] =	stream.linear.gather [hbm4b:s6+s2], $0x1000, $0x38;
	[tilespmem:$0x15C00] =	vst v63  }
0x19: {  	_ =	swait.ge [sflag:s10], $0x1000  }
0x1a: {  	[sflag:s10] =	ssyncset.done $0x0  }
0x1b: {  	[sflag:s10] =	ssyncadd.s32 $0xFFFFF000  }
0x1c: {  	s30 =	simm.s32 $0x0;
	[bflag:$0x0] =	sbarrier.arrive $0xFFFF  }
0x1d: {  	[tilespmem:s13], [sflag:$0x1] =	stream.indirect.gather [hbm4b:s3+s12], $0x80, s30, s12, $0xb8;
	[tilespmem:$0x15C00] =	vst v63  }
0x1e: {  	_ =	swait.ge [sflag:s10], $0x4000  }
0x1f: {  	[sflag:s10] =	ssyncset.done $0x0  }
0x20: {  	s31 =	simm.s32 $0x1000;
	[sflag:s10] =	ssyncadd.s32 $0xFFFFC000  }
0x21: {  	[spmem:s1] =	stream.indirect.scatter.add.f32 [tilespmem:s13], [sflag:$0x1], $0x80, s31, s12, $0xb8;
	[tilespmem:$0x15C00] =	vst v63  }
0x22: {  	_ =	swait.ge [sflag:s10], $0x4000  }
0x23: {  	s16 =	simm.s32 $0x400;
	s15 =	simm.s32 $0x200;
	[sflag:s10] =	ssyncset.done $0x0  }
.LBB2_2:
0x24: {  	s17 =	sshra.s32 s15, $0x2  }
0x25: {  	[sflag:s10] =	ssyncadd.s32 $0xFFFFC000;
	s15 =	smov.u32 s16;
	s18 =	sadd.s32 $0x200, s16  }
0x26: {  	[tilespmem:s13], [sflag:$0x1] =	stream.indirect.gather [hbm4b:s3+s12], $0x80, s17, s12, $0xb8;
	[tilespmem:$0x15C00] =	vst v63  }
0x27: {  	p1 =	sne.s32 s16, $0x3E00;
	_ =	swait.ge [sflag:s10], $0x4000  }
.Ltmp0:
0x28: {  	[sflag:s10] =	ssyncset.done $0x0;
	(pc) =	sbr.rel @p1 .LBB2_2-.Ltmp0, $4  }
0x29: {  	s16 =	sadd.s32 $0x1000, s17;
	[sflag:s10] =	ssyncadd.s32 $0xFFFFC000  }
0x2a: {  	[spmem:s1] =	stream.indirect.scatter.add.f32 [tilespmem:s13], [sflag:$0x1], $0x80, s16, s12, $0xb8;
	[tilespmem:$0x15C00] =	vst v63  }
0x2b: {  	_ =	swait.ge [sflag:s10], $0x4000  }
0x2c: {  	s16 =	smov.u32 s18;
	[sflag:s10] =	ssyncset.done $0x0  }
0x2d: {  	s15 =	sshra.s32 s15, $0x2;
	[sflag:s10] =	ssyncadd.s32 $0xFFFFC000  }
0x2e: {  	[tilespmem:s13], [sflag:$0x1] =	stream.indirect.gather [hbm4b:s3+s12], $0x80, s15, s12, $0xb8;
	[tilespmem:$0x15C00] =	vst v63  }
0x2f: {  	_ =	swait.ge [sflag:s10], $0x4000  }
0x30: {  	[sflag:s10] =	ssyncset.done $0x0  }
0x31: {  	s15 =	sadd.s32 $0x1000, s15;
	[sflag:s10] =	ssyncadd.s32 $0xFFFFC000  }
0x32: {  	[spmem:s1] =	stream.indirect.scatter.add.f32 [tilespmem:s13], [sflag:$0x1], $0x80, s15, s12, $0xb8;
	[tilespmem:$0x15C00] =	vst v63  }
0x33: {  	_ =	swait.ge [sflag:s10], $0x4000  }
0x34: {  	[sflag:s10] =	ssyncset.done $0x0  }
0x35: {  	s14 =	sadd.s32 $0x1, s14;
	[sflag:s10] =	ssyncadd.s32 $0xFFFFC000  }
0x36: {  	p1 =	sne.s32 s14, s8;
	s15 =	simm.s32 @!p0 $0x1C01;
	[bflag:$0x0] =	sbarrier.arrive $0xFFFF  }
0x37: {  	[hbm:s7], [sflag:s15] =	dma.local @!p0 [spmem:s9], $0x1F800  }
.Ltmp1:
0x38: {  	_ = 	snop;
	(pc) =	sbr.rel @p1 .LBB2_1-.Ltmp1, $4  }
0x39: {  	s15 =	simm.s32 @!p0 $0x1  }
0x3a: {  	_ =	swait.ge @!p0 [sflag:s15], $0x1F800  }
0x3b: {  	[sflag:s15] =	ssyncset.done @!p0 $0x0  }
0x3c: {  	[sflag:s15] =	ssyncadd.s32 @!p0 $0xFFFE0800  }
0x3d: {  	_ =	sfence.sel $0x180000  }
0x3e: {  	[bflag:$0x0] =	sbarrier.arrive $0xFFFF  }
0x3f: {  	_ =	strace $0x9000004D  }
0x40: {  	s0 =	sadd.s32 @!p0 $0x100000, s0;
	[bflag:$0x2] =	sbarrier.arrive $0xFFFF  }
0x41: {  	[sflag:s0] =	ssyncadd.tile.s32 @!p0 $0x1;
	_ =	shalt  }
.Lfunc_end2:
_tile_overlayer_lowered:
.L_overlay_start_2:
0x42: {  	(tag) =	ssettag $0x2  }
0x43: {  	s0 =	rddreg [dreg:$0x0];
	s2 =	stileid.u32  }
0x44: {  	s1 =	rddreg [dreg:$0x1];
	p0 =	sne.s32 s2, $0x0  }
0x45: {  	s3 =	rddreg [dreg:$0x2];
	[bflag:$0x3] =	sbarrier.arrive $0xFFFF;
	s2 =	simm.s32 @!p0 $0x1C01  }
0x46: {  	[timem:s3], [sflag:s2] =	dma.local @!p0 [hbm:s0], s1  }
0x47: {  	s0 =	simm.s32 @!p0 $0x1  }
0x48: {  	_ =	swait.ge @!p0 [sflag:s0], s1  }
0x49: {  	s1 =	ssub.s32 @!p0 $0x0, s1;
	[sflag:s0] =	ssyncset.done @!p0 $0x0  }
0x4a: {  	[sflag:s0] =	ssyncadd.s32 @!p0 s1  }
0x4b: {  	[bflag:$0x3] =	sbarrier.arrive $0xFFFF  }
0x4c: {  	_ =	shalt  }

</sc_bundles>
